<compile_context>
chip_gen: v7x
topology: tpu7x:2x2x1
jax: 0.10.2.dev20260603
libtpu: 0.0.44.dev20260713+nightly
codegen_flags: <defaults>
</compile_context>

<pallas_src>
import functools

import jax
import jax.numpy as jnp
from jax import lax
from jax.experimental import pallas as pl
from jax.experimental.pallas import tpu as pltpu
from jax.experimental.pallas import tpu_sc as plsc

_B, _S, _D = 4, 2048, 128
_NC, _NS = 2, 16
_NW = _NC * _NS
_PCH = _S // _NW
_L = 16

_mesh = plsc.VectorSubcoreMesh(core_axis_name="c", subcore_axis_name="s")


@functools.partial(
    pl.kernel,
    mesh=_mesh,
    out_type=jax.ShapeDtypeStruct((_B, _S, _D), jnp.float32),
    scratch_types=[
        pltpu.VMEM((_B, _PCH), jnp.int32),
        pltpu.VMEM((_PCH, _D), jnp.float32),
        pltpu.VMEM((_B, _PCH, _D), jnp.float32),
        pltpu.SemaphoreType.DMA,
        pltpu.SemaphoreType.DMA,
        pltpu.SemaphoreType.DMA,
        pltpu.SemaphoreType.DMA,
        pltpu.SemaphoreType.DMA,
        pltpu.SemaphoreType.DMA,
        pltpu.SemaphoreType.DMA,
    ],
)
def _emb(x_hbm, table_hbm, pos_hbm, out_hbm,
         idx_v, pos_v, rows_v, isem, psem, gs0, gs1, gs2, gs3, ws):
    wid = lax.axis_index("s") * _NC + lax.axis_index("c")
    s0 = wid * _PCH
    gsems = (gs0, gs1, gs2, gs3)

    icps = [
        pltpu.async_copy(x_hbm.at[b, pl.ds(s0, _PCH)], idx_v.at[b], isem)
        for b in range(_B)
    ]
    pcp = pltpu.async_copy(pos_hbm.at[pl.ds(s0, _PCH)], pos_v, psem)
    for cp in icps:
        cp.wait()

    gcps = [
        pltpu.async_copy(table_hbm.at[idx_v.at[b]], rows_v.at[b], gsems[b])
        for b in range(_B)
    ]
    pcp.wait()

    wcps = []
    for b in range(_B):
        gcps[b].wait()

        def add_row(r, carry, _b=b):
            for j in range(_D // _L):
                sl = pl.ds(j * _L, _L)
                rows_v[_b, r, sl] = rows_v[_b, r, sl] + pos_v[r, sl]
            return carry

        lax.fori_loop(0, _PCH, add_row, 0)
        wcps.append(pltpu.async_copy(
            rows_v.at[b], out_hbm.at[b, pl.ds(s0, _PCH)], ws))
    for cp in wcps:
        cp.wait()


def kernel(x, table, pos_table):
    return _emb(x, table, pos_table)

# --- scband reference (transcript-rebuilt; emitter-appended) ---
"""Pipeline reference for scband-embedding-64673617543620 (READ-ONLY COPY).

The authoritative reference and input builder live on the scoring server;
editing this copy changes nothing except your own understanding.
"""

import jax, jax.numpy as jnp
import numpy as np

N_VOCAB = 100000
D_EMB = 128
N_SEQ = 2048
B = 4
S = 2048


def make_pos_table():
    i_emb = jnp.arange(D_EMB, dtype=jnp.float32)
    i_seq = jnp.arange(N_SEQ, dtype=jnp.float32)[:, None]
    emb = i_seq * jnp.power(10000.0, -2.0 * i_emb / D_EMB)
    emb = emb.at[:, 0::2].set(jnp.sin(emb[:, 0::2]))
    emb = emb.at[:, 1::2].set(jnp.cos(emb[:, 1::2]))
    return emb


def setup_inputs(seed: int = 0) -> dict:
    key = jax.random.key(seed)
    k1, k2 = jax.random.split(key)
    x = jax.random.randint(k1, (B, S), 0, N_VOCAB, dtype=jnp.int64 if jax.config.jax_enable_x64 else jnp.int32)
    table = jax.random.normal(k2, (N_VOCAB, D_EMB), dtype=jnp.float32)
    pos_table = make_pos_table()
    return {"x": x, "table": table, "pos_table": pos_table}


def reference(x, table, pos_table):
    # input embedding lookup (gather)
    tok_emb = jnp.take(table, x, axis=0)  # [B, S, D]
    # positional embedding: lookup arange(seq_len) into frozen sinusoidal table
    n_seq = x.shape[-1]
    i_seq = jnp.arange(n_seq)
    pos_emb = jnp.take(pos_table, i_seq, axis=0)  # [S, D]
    out = tok_emb + pos_emb[None, :, :]
    # dropout is identity in eval mode
    return out

if __name__ == "__main__":
    import jax
    _d = setup_inputs()
    print(jax.jit(kernel)(*tuple(_d.values())))

</pallas_src>

<mosaic_0001>
#map = affine_map<(d0, d1) -> (0, 0)>
#map1 = affine_map<(d0, d1) -> (0, 0, 0)>
module attributes {stable_mosaic.version = 14 : i64} {
  func.func @_emb(%arg0: i32, %arg1: i32, %arg2: memref<4x2048xi32, #tpu.memory_space<hbm>>, %arg3: memref<100000x128xf32, #tpu.memory_space<hbm>>, %arg4: memref<2048x128xf32, #tpu.memory_space<hbm>>, %arg5: memref<4x2048x128xf32, #tpu.memory_space<hbm>>, %arg6: memref<4x64xi32, #tpu.memory_space<vmem>>, %arg7: memref<64x128xf32, #tpu.memory_space<vmem>>, %arg8: memref<4x64x128xf32, #tpu.memory_space<vmem>>, %arg9: memref<!tpu.dma_semaphore, #tpu.memory_space<semaphore_mem>>, %arg10: memref<!tpu.dma_semaphore, #tpu.memory_space<semaphore_mem>>, %arg11: memref<!tpu.dma_semaphore, #tpu.memory_space<semaphore_mem>>, %arg12: memref<!tpu.dma_semaphore, #tpu.memory_space<semaphore_mem>>, %arg13: memref<!tpu.dma_semaphore, #tpu.memory_space<semaphore_mem>>, %arg14: memref<!tpu.dma_semaphore, #tpu.memory_space<semaphore_mem>>, %arg15: memref<!tpu.dma_semaphore, #tpu.memory_space<semaphore_mem>>) attributes {dimension_semantics = [#tpu.dimension_semantics<core_parallel>, #tpu.dimension_semantics<subcore_parallel>], iteration_bounds = array<i64: 2, 16>, scalar_prefetch = 0 : i64, scratch_operands = 10 : i64, tpu.core_type = #tpu.core_type<sc_vector_subcore>, window_params = [{transform_indices = #map}, {transform_indices = #map}, {transform_indices = #map}, {transform_indices = #map1}]} {
    %mul3A = arith.constant 2 : i32
    %mul3A_0 = arith.muli %arg1, %mul3A : i32
    %add3A = arith.addi %mul3A_0, %arg0 : i32
    %mul3A_1 = arith.constant 64 : i32
    %mul3A_2 = arith.muli %add3A, %mul3A_1 : i32
    %dma_start3A = arith.constant 0 : i32
    %dma_start3A_3 = arith.constant 0 : i32
    %dma_start3A_4 = arith.constant 0 : i32
    %dma_start3A_5 = tpu.memref_slice %arg6[%dma_start3A_3, %dma_start3A_4] : memref<4x64xi32, #tpu.memory_space<vmem>> -> memref<1x64xi32, #tpu.memory_space<vmem>>
    %dma_start3A_6 = tpu.memref_squeeze %dma_start3A_5 : memref<1x64xi32, #tpu.memory_space<vmem>> -> memref<64xi32, #tpu.memory_space<vmem>>
    %dma_start3A_7 = tpu.memref_slice %arg2[%dma_start3A, %mul3A_2] : memref<4x2048xi32, #tpu.memory_space<hbm>> -> memref<1x64xi32, #tpu.memory_space<hbm>>
    %dma_start3A_8 = tpu.memref_squeeze %dma_start3A_7 : memref<1x64xi32, #tpu.memory_space<hbm>> -> memref<64xi32, #tpu.memory_space<hbm>>
    %dma_start3A_9 = arith.constant 0 : i32
    %dma_start3A_10 = tpu.memref_slice %arg6[%dma_start3A_3, %dma_start3A_9] : memref<4x64xi32, #tpu.memory_space<vmem>> -> memref<1x64xi32, #tpu.memory_space<vmem>>
    %dma_start3A_11 = tpu.memref_squeeze %dma_start3A_10 : memref<1x64xi32, #tpu.memory_space<vmem>> -> memref<64xi32, #tpu.memory_space<vmem>>
    %dma_start3A_12 = tpu.memref_slice %arg2[%dma_start3A, %mul3A_2] : memref<4x2048xi32, #tpu.memory_space<hbm>> -> memref<1x64xi32, #tpu.memory_space<hbm>>
    %dma_start3A_13 = tpu.memref_squeeze %dma_start3A_12 : memref<1x64xi32, #tpu.memory_space<hbm>> -> memref<64xi32, #tpu.memory_space<hbm>>
    tpu.enqueue_dma source(%dma_start3A_13 : memref<64xi32, #tpu.memory_space<hbm>>) target(%dma_start3A_11 : memref<64xi32, #tpu.memory_space<vmem>>) target_semaphore(%arg9 : memref<!tpu.dma_semaphore, #tpu.memory_space<semaphore_mem>>)
    %dma_start3A_14 = arith.constant 1 : i32
    %dma_start3A_15 = arith.constant 1 : i32
    %dma_start3A_16 = arith.constant 0 : i32
    %dma_start3A_17 = tpu.memref_slice %arg6[%dma_start3A_15, %dma_start3A_16] : memref<4x64xi32, #tpu.memory_space<vmem>> -> memref<1x64xi32, #tpu.memory_space<vmem>>
    %dma_start3A_18 = tpu.memref_squeeze %dma_start3A_17 : memref<1x64xi32, #tpu.memory_space<vmem>> -> memref<64xi32, #tpu.memory_space<vmem>>
    %dma_start3A_19 = tpu.memref_slice %arg2[%dma_start3A_14, %mul3A_2] : memref<4x2048xi32, #tpu.memory_space<hbm>> -> memref<1x64xi32, #tpu.memory_space<hbm>>
    %dma_start3A_20 = tpu.memref_squeeze %dma_start3A_19 : memref<1x64xi32, #tpu.memory_space<hbm>> -> memref<64xi32, #tpu.memory_space<hbm>>
    %dma_start3A_21 = arith.constant 0 : i32
    %dma_start3A_22 = tpu.memref_slice %arg6[%dma_start3A_15, %dma_start3A_21] : memref<4x64xi32, #tpu.memory_space<vmem>> -> memref<1x64xi32, #tpu.memory_space<vmem>>
    %dma_start3A_23 = tpu.memref_squeeze %dma_start3A_22 : memref<1x64xi32, #tpu.memory_space<vmem>> -> memref<64xi32, #tpu.memory_space<vmem>>
    %dma_start3A_24 = tpu.memref_slice %arg2[%dma_start3A_14, %mul3A_2] : memref<4x2048xi32, #tpu.memory_space<hbm>> -> memref<1x64xi32, #tpu.memory_space<hbm>>
    %dma_start3A_25 = tpu.memref_squeeze %dma_start3A_24 : memref<1x64xi32, #tpu.memory_space<hbm>> -> memref<64xi32, #tpu.memory_space<hbm>>
    tpu.enqueue_dma source(%dma_start3A_25 : memref<64xi32, #tpu.memory_space<hbm>>) target(%dma_start3A_23 : memref<64xi32, #tpu.memory_space<vmem>>) target_semaphore(%arg9 : memref<!tpu.dma_semaphore, #tpu.memory_space<semaphore_mem>>)
    %dma_start3A_26 = arith.constant 2 : i32
    %dma_start3A_27 = arith.constant 2 : i32
    %dma_start3A_28 = arith.constant 0 : i32
    %dma_start3A_29 = tpu.memref_slice %arg6[%dma_start3A_27, %dma_start3A_28] : memref<4x64xi32, #tpu.memory_space<vmem>> -> memref<1x64xi32, #tpu.memory_space<vmem>>
    %dma_start3A_30 = tpu.memref_squeeze %dma_start3A_29 : memref<1x64xi32, #tpu.memory_space<vmem>> -> memref<64xi32, #tpu.memory_space<vmem>>
    %dma_start3A_31 = tpu.memref_slice %arg2[%dma_start3A_26, %mul3A_2] : memref<4x2048xi32, #tpu.memory_space<hbm>> -> memref<1x64xi32, #tpu.memory_space<hbm>>
    %dma_start3A_32 = tpu.memref_squeeze %dma_start3A_31 : memref<1x64xi32, #tpu.memory_space<hbm>> -> memref<64xi32, #tpu.memory_space<hbm>>
    %dma_start3A_33 = arith.constant 0 : i32
    %dma_start3A_34 = tpu.memref_slice %arg6[%dma_start3A_27, %dma_start3A_33] : memref<4x64xi32, #tpu.memory_space<vmem>> -> memref<1x64xi32, #tpu.memory_space<vmem>>
    %dma_start3A_35 = tpu.memref_squeeze %dma_start3A_34 : memref<1x64xi32, #tpu.memory_space<vmem>> -> memref<64xi32, #tpu.memory_space<vmem>>
    %dma_start3A_36 = tpu.memref_slice %arg2[%dma_start3A_26, %mul3A_2] : memref<4x2048xi32, #tpu.memory_space<hbm>> -> memref<1x64xi32, #tpu.memory_space<hbm>>
    %dma_start3A_37 = tpu.memref_squeeze %dma_start3A_36 : memref<1x64xi32, #tpu.memory_space<hbm>> -> memref<64xi32, #tpu.memory_space<hbm>>
    tpu.enqueue_dma source(%dma_start3A_37 : memref<64xi32, #tpu.memory_space<hbm>>) target(%dma_start3A_35 : memref<64xi32, #tpu.memory_space<vmem>>) target_semaphore(%arg9 : memref<!tpu.dma_semaphore, #tpu.memory_space<semaphore_mem>>)
    %dma_start3A_38 = arith.constant 3 : i32
    %dma_start3A_39 = arith.constant 3 : i32
    %dma_start3A_40 = arith.constant 0 : i32
    %dma_start3A_41 = tpu.memref_slice %arg6[%dma_start3A_39, %dma_start3A_40] : memref<4x64xi32, #tpu.memory_space<vmem>> -> memref<1x64xi32, #tpu.memory_space<vmem>>
    %dma_start3A_42 = tpu.memref_squeeze %dma_start3A_41 : memref<1x64xi32, #tpu.memory_space<vmem>> -> memref<64xi32, #tpu.memory_space<vmem>>
    %dma_start3A_43 = tpu.memref_slice %arg2[%dma_start3A_38, %mul3A_2] : memref<4x2048xi32, #tpu.memory_space<hbm>> -> memref<1x64xi32, #tpu.memory_space<hbm>>
    %dma_start3A_44 = tpu.memref_squeeze %dma_start3A_43 : memref<1x64xi32, #tpu.memory_space<hbm>> -> memref<64xi32, #tpu.memory_space<hbm>>
    %dma_start3A_45 = arith.constant 0 : i32
    %dma_start3A_46 = tpu.memref_slice %arg6[%dma_start3A_39, %dma_start3A_45] : memref<4x64xi32, #tpu.memory_space<vmem>> -> memref<1x64xi32, #tpu.memory_space<vmem>>
    %dma_start3A_47 = tpu.memref_squeeze %dma_start3A_46 : memref<1x64xi32, #tpu.memory_space<vmem>> -> memref<64xi32, #tpu.memory_space<vmem>>
    %dma_start3A_48 = tpu.memref_slice %arg2[%dma_start3A_38, %mul3A_2] : memref<4x2048xi32, #tpu.memory_space<hbm>> -> memref<1x64xi32, #tpu.memory_space<hbm>>
    %dma_start3A_49 = tpu.memref_squeeze %dma_start3A_48 : memref<1x64xi32, #tpu.memory_space<hbm>> -> memref<64xi32, #tpu.memory_space<hbm>>
    tpu.enqueue_dma source(%dma_start3A_49 : memref<64xi32, #tpu.memory_space<hbm>>) target(%dma_start3A_47 : memref<64xi32, #tpu.memory_space<vmem>>) target_semaphore(%arg9 : memref<!tpu.dma_semaphore, #tpu.memory_space<semaphore_mem>>)
    %dma_start3A_50 = arith.constant 0 : i32
    %dma_start3A_51 = tpu.memref_slice %arg4[%mul3A_2, %dma_start3A_50] : memref<2048x128xf32, #tpu.memory_space<hbm>> -> memref<64x128xf32, #tpu.memory_space<hbm>>
    %dma_start3A_52 = arith.constant 0 : i32
    %dma_start3A_53 = tpu.memref_slice %arg4[%mul3A_2, %dma_start3A_52] : memref<2048x128xf32, #tpu.memory_space<hbm>> -> memref<64x128xf32, #tpu.memory_space<hbm>>
    tpu.enqueue_dma source(%dma_start3A_53 : memref<64x128xf32, #tpu.memory_space<hbm>>) target(%arg7 : memref<64x128xf32, #tpu.memory_space<vmem>>) target_semaphore(%arg10 : memref<!tpu.dma_semaphore, #tpu.memory_space<semaphore_mem>>)
    %dma_wait3A = arith.constant 0 : i32
    %dma_wait3A_54 = arith.constant 0 : i32
    %dma_wait3A_55 = arith.constant 0 : i32
    %dma_wait3A_56 = tpu.memref_slice %arg6[%dma_wait3A_54, %dma_wait3A_55] : memref<4x64xi32, #tpu.memory_space<vmem>> -> memref<1x64xi32, #tpu.memory_space<vmem>>
    %dma_wait3A_57 = tpu.memref_squeeze %dma_wait3A_56 : memref<1x64xi32, #tpu.memory_space<vmem>> -> memref<64xi32, #tpu.memory_space<vmem>>
    %dma_wait3A_58 = tpu.memref_slice %arg2[%dma_wait3A, %mul3A_2] : memref<4x2048xi32, #tpu.memory_space<hbm>> -> memref<1x64xi32, #tpu.memory_space<hbm>>
    %dma_wait3A_59 = tpu.memref_squeeze %dma_wait3A_58 : memref<1x64xi32, #tpu.memory_space<hbm>> -> memref<64xi32, #tpu.memory_space<hbm>>
    %dma_wait3A_60 = arith.constant 0 : i32
    %dma_wait3A_61 = tpu.memref_slice %arg6[%dma_wait3A_54, %dma_wait3A_60] : memref<4x64xi32, #tpu.memory_space<vmem>> -> memref<1x64xi32, #tpu.memory_space<vmem>>
    %dma_wait3A_62 = tpu.memref_squeeze %dma_wait3A_61 : memref<1x64xi32, #tpu.memory_space<vmem>> -> memref<64xi32, #tpu.memory_space<vmem>>
    %dma_wait3A_63 = tpu.memref_slice %arg2[%dma_wait3A, %mul3A_2] : memref<4x2048xi32, #tpu.memory_space<hbm>> -> memref<1x64xi32, #tpu.memory_space<hbm>>
    %dma_wait3A_64 = tpu.memref_squeeze %dma_wait3A_63 : memref<1x64xi32, #tpu.memory_space<hbm>> -> memref<64xi32, #tpu.memory_space<hbm>>
    tpu.wait_dma2 semaphore(%arg9 : memref<!tpu.dma_semaphore, #tpu.memory_space<semaphore_mem>>) src(%dma_wait3A_64 : memref<64xi32, #tpu.memory_space<hbm>>) dst(%dma_wait3A_62 : memref<64xi32, #tpu.memory_space<vmem>>)
    %dma_wait3A_65 = arith.constant 1 : i32
    %dma_wait3A_66 = arith.constant 1 : i32
    %dma_wait3A_67 = arith.constant 0 : i32
    %dma_wait3A_68 = tpu.memref_slice %arg6[%dma_wait3A_66, %dma_wait3A_67] : memref<4x64xi32, #tpu.memory_space<vmem>> -> memref<1x64xi32, #tpu.memory_space<vmem>>
    %dma_wait3A_69 = tpu.memref_squeeze %dma_wait3A_68 : memref<1x64xi32, #tpu.memory_space<vmem>> -> memref<64xi32, #tpu.memory_space<vmem>>
    %dma_wait3A_70 = tpu.memref_slice %arg2[%dma_wait3A_65, %mul3A_2] : memref<4x2048xi32, #tpu.memory_space<hbm>> -> memref<1x64xi32, #tpu.memory_space<hbm>>
    %dma_wait3A_71 = tpu.memref_squeeze %dma_wait3A_70 : memref<1x64xi32, #tpu.memory_space<hbm>> -> memref<64xi32, #tpu.memory_space<hbm>>
    %dma_wait3A_72 = arith.constant 0 : i32
    %dma_wait3A_73 = tpu.memref_slice %arg6[%dma_wait3A_66, %dma_wait3A_72] : memref<4x64xi32, #tpu.memory_space<vmem>> -> memref<1x64xi32, #tpu.memory_space<vmem>>
    %dma_wait3A_74 = tpu.memref_squeeze %dma_wait3A_73 : memref<1x64xi32, #tpu.memory_space<vmem>> -> memref<64xi32, #tpu.memory_space<vmem>>
    %dma_wait3A_75 = tpu.memref_slice %arg2[%dma_wait3A_65, %mul3A_2] : memref<4x2048xi32, #tpu.memory_space<hbm>> -> memref<1x64xi32, #tpu.memory_space<hbm>>
    %dma_wait3A_76 = tpu.memref_squeeze %dma_wait3A_75 : memref<1x64xi32, #tpu.memory_space<hbm>> -> memref<64xi32, #tpu.memory_space<hbm>>
    tpu.wait_dma2 semaphore(%arg9 : memref<!tpu.dma_semaphore, #tpu.memory_space<semaphore_mem>>) src(%dma_wait3A_76 : memref<64xi32, #tpu.memory_space<hbm>>) dst(%dma_wait3A_74 : memref<64xi32, #tpu.memory_space<vmem>>)
    %dma_wait3A_77 = arith.constant 2 : i32
    %dma_wait3A_78 = arith.constant 2 : i32
    %dma_wait3A_79 = arith.constant 0 : i32
    %dma_wait3A_80 = tpu.memref_slice %arg6[%dma_wait3A_78, %dma_wait3A_79] : memref<4x64xi32, #tpu.memory_space<vmem>> -> memref<1x64xi32, #tpu.memory_space<vmem>>
    %dma_wait3A_81 = tpu.memref_squeeze %dma_wait3A_80 : memref<1x64xi32, #tpu.memory_space<vmem>> -> memref<64xi32, #tpu.memory_space<vmem>>
    %dma_wait3A_82 = tpu.memref_slice %arg2[%dma_wait3A_77, %mul3A_2] : memref<4x2048xi32, #tpu.memory_space<hbm>> -> memref<1x64xi32, #tpu.memory_space<hbm>>
    %dma_wait3A_83 = tpu.memref_squeeze %dma_wait3A_82 : memref<1x64xi32, #tpu.memory_space<hbm>> -> memref<64xi32, #tpu.memory_space<hbm>>
    %dma_wait3A_84 = arith.constant 0 : i32
    %dma_wait3A_85 = tpu.memref_slice %arg6[%dma_wait3A_78, %dma_wait3A_84] : memref<4x64xi32, #tpu.memory_space<vmem>> -> memref<1x64xi32, #tpu.memory_space<vmem>>
    %dma_wait3A_86 = tpu.memref_squeeze %dma_wait3A_85 : memref<1x64xi32, #tpu.memory_space<vmem>> -> memref<64xi32, #tpu.memory_space<vmem>>
    %dma_wait3A_87 = tpu.memref_slice %arg2[%dma_wait3A_77, %mul3A_2] : memref<4x2048xi32, #tpu.memory_space<hbm>> -> memref<1x64xi32, #tpu.memory_space<hbm>>
    %dma_wait3A_88 = tpu.memref_squeeze %dma_wait3A_87 : memref<1x64xi32, #tpu.memory_space<hbm>> -> memref<64xi32, #tpu.memory_space<hbm>>
    tpu.wait_dma2 semaphore(%arg9 : memref<!tpu.dma_semaphore, #tpu.memory_space<semaphore_mem>>) src(%dma_wait3A_88 : memref<64xi32, #tpu.memory_space<hbm>>) dst(%dma_wait3A_86 : memref<64xi32, #tpu.memory_space<vmem>>)
    %dma_wait3A_89 = arith.constant 3 : i32
    %dma_wait3A_90 = arith.constant 3 : i32
    %dma_wait3A_91 = arith.constant 0 : i32
    %dma_wait3A_92 = tpu.memref_slice %arg6[%dma_wait3A_90, %dma_wait3A_91] : memref<4x64xi32, #tpu.memory_space<vmem>> -> memref<1x64xi32, #tpu.memory_space<vmem>>
    %dma_wait3A_93 = tpu.memref_squeeze %dma_wait3A_92 : memref<1x64xi32, #tpu.memory_space<vmem>> -> memref<64xi32, #tpu.memory_space<vmem>>
    %dma_wait3A_94 = tpu.memref_slice %arg2[%dma_wait3A_89, %mul3A_2] : memref<4x2048xi32, #tpu.memory_space<hbm>> -> memref<1x64xi32, #tpu.memory_space<hbm>>
    %dma_wait3A_95 = tpu.memref_squeeze %dma_wait3A_94 : memref<1x64xi32, #tpu.memory_space<hbm>> -> memref<64xi32, #tpu.memory_space<hbm>>
    %dma_wait3A_96 = arith.constant 0 : i32
    %dma_wait3A_97 = tpu.memref_slice %arg6[%dma_wait3A_90, %dma_wait3A_96] : memref<4x64xi32, #tpu.memory_space<vmem>> -> memref<1x64xi32, #tpu.memory_space<vmem>>
    %dma_wait3A_98 = tpu.memref_squeeze %dma_wait3A_97 : memref<1x64xi32, #tpu.memory_space<vmem>> -> memref<64xi32, #tpu.memory_space<vmem>>
    %dma_wait3A_99 = tpu.memref_slice %arg2[%dma_wait3A_89, %mul3A_2] : memref<4x2048xi32, #tpu.memory_space<hbm>> -> memref<1x64xi32, #tpu.memory_space<hbm>>
    %dma_wait3A_100 = tpu.memref_squeeze %dma_wait3A_99 : memref<1x64xi32, #tpu.memory_space<hbm>> -> memref<64xi32, #tpu.memory_space<hbm>>
    tpu.wait_dma2 semaphore(%arg9 : memref<!tpu.dma_semaphore, #tpu.memory_space<semaphore_mem>>) src(%dma_wait3A_100 : memref<64xi32, #tpu.memory_space<hbm>>) dst(%dma_wait3A_98 : memref<64xi32, #tpu.memory_space<vmem>>)
    %dma_start3A_101 = arith.constant 0 : i32
    %dma_start3A_102 = arith.constant 0 : i32
    %dma_start3A_103 = arith.constant 0 : i32
    %dma_start3A_104 = arith.constant 0 : i32
    %dma_start3A_105 = tpu.memref_slice %arg8[%dma_start3A_102, %dma_start3A_103, %dma_start3A_104] : memref<4x64x128xf32, #tpu.memory_space<vmem>> -> memref<1x64x128xf32, #tpu.memory_space<vmem>>
    %dma_start3A_106 = tpu.memref_squeeze %dma_start3A_105 : memref<1x64x128xf32, #tpu.memory_space<vmem>> -> memref<64x128xf32, #tpu.memory_space<vmem>>
    %dma_start3A_107 = arith.constant 0 : i32
    %dma_start3A_108 = tpu.memref_slice %arg6[%dma_start3A_101, %dma_start3A_107] : memref<4x64xi32, #tpu.memory_space<vmem>> -> memref<1x64xi32, #tpu.memory_space<vmem>>
    %dma_start3A_109 = tpu.memref_squeeze %dma_start3A_108 : memref<1x64xi32, #tpu.memory_space<vmem>> -> memref<64xi32, #tpu.memory_space<vmem>>
    %dma_start3A_110 = arith.constant 0 : i32
    %dma_start3A_111 = arith.constant 0 : i32
    %dma_start3A_112 = tpu.memref_slice %arg3[%dma_start3A_110, %dma_start3A_111] : memref<100000x128xf32, #tpu.memory_space<hbm>> -> memref<100000x128xf32, #tpu.memory_space<hbm>>
    tpu.enqueue_indirect_dma source(%dma_start3A_112 : memref<100000x128xf32, #tpu.memory_space<hbm>>) target(%dma_start3A_106 : memref<64x128xf32, #tpu.memory_space<vmem>>) offsets(%dma_start3A_109 : memref<64xi32, #tpu.memory_space<vmem>>) semaphore(%arg11 : memref<!tpu.dma_semaphore, #tpu.memory_space<semaphore_mem>>)
    %dma_start3A_113 = arith.constant 1 : i32
    %dma_start3A_114 = arith.constant 1 : i32
    %dma_start3A_115 = arith.constant 0 : i32
    %dma_start3A_116 = arith.constant 0 : i32
    %dma_start3A_117 = tpu.memref_slice %arg8[%dma_start3A_114, %dma_start3A_115, %dma_start3A_116] : memref<4x64x128xf32, #tpu.memory_space<vmem>> -> memref<1x64x128xf32, #tpu.memory_space<vmem>>
    %dma_start3A_118 = tpu.memref_squeeze %dma_start3A_117 : memref<1x64x128xf32, #tpu.memory_space<vmem>> -> memref<64x128xf32, #tpu.memory_space<vmem>>
    %dma_start3A_119 = arith.constant 0 : i32
    %dma_start3A_120 = tpu.memref_slice %arg6[%dma_start3A_113, %dma_start3A_119] : memref<4x64xi32, #tpu.memory_space<vmem>> -> memref<1x64xi32, #tpu.memory_space<vmem>>
    %dma_start3A_121 = tpu.memref_squeeze %dma_start3A_120 : memref<1x64xi32, #tpu.memory_space<vmem>> -> memref<64xi32, #tpu.memory_space<vmem>>
    %dma_start3A_122 = arith.constant 0 : i32
    %dma_start3A_123 = arith.constant 0 : i32
    %dma_start3A_124 = tpu.memref_slice %arg3[%dma_start3A_122, %dma_start3A_123] : memref<100000x128xf32, #tpu.memory_space<hbm>> -> memref<100000x128xf32, #tpu.memory_space<hbm>>
    tpu.enqueue_indirect_dma source(%dma_start3A_124 : memref<100000x128xf32, #tpu.memory_space<hbm>>) target(%dma_start3A_118 : memref<64x128xf32, #tpu.memory_space<vmem>>) offsets(%dma_start3A_121 : memref<64xi32, #tpu.memory_space<vmem>>) semaphore(%arg12 : memref<!tpu.dma_semaphore, #tpu.memory_space<semaphore_mem>>)
    %dma_start3A_125 = arith.constant 2 : i32
    %dma_start3A_126 = arith.constant 2 : i32
    %dma_start3A_127 = arith.constant 0 : i32
    %dma_start3A_128 = arith.constant 0 : i32
    %dma_start3A_129 = tpu.memref_slice %arg8[%dma_start3A_126, %dma_start3A_127, %dma_start3A_128] : memref<4x64x128xf32, #tpu.memory_space<vmem>> -> memref<1x64x128xf32, #tpu.memory_space<vmem>>
    %dma_start3A_130 = tpu.memref_squeeze %dma_start3A_129 : memref<1x64x128xf32, #tpu.memory_space<vmem>> -> memref<64x128xf32, #tpu.memory_space<vmem>>
    %dma_start3A_131 = arith.constant 0 : i32
    %dma_start3A_132 = tpu.memref_slice %arg6[%dma_start3A_125, %dma_start3A_131] : memref<4x64xi32, #tpu.memory_space<vmem>> -> memref<1x64xi32, #tpu.memory_space<vmem>>
    %dma_start3A_133 = tpu.memref_squeeze %dma_start3A_132 : memref<1x64xi32, #tpu.memory_space<vmem>> -> memref<64xi32, #tpu.memory_space<vmem>>
    %dma_start3A_134 = arith.constant 0 : i32
    %dma_start3A_135 = arith.constant 0 : i32
    %dma_start3A_136 = tpu.memref_slice %arg3[%dma_start3A_134, %dma_start3A_135] : memref<100000x128xf32, #tpu.memory_space<hbm>> -> memref<100000x128xf32, #tpu.memory_space<hbm>>
    tpu.enqueue_indirect_dma source(%dma_start3A_136 : memref<100000x128xf32, #tpu.memory_space<hbm>>) target(%dma_start3A_130 : memref<64x128xf32, #tpu.memory_space<vmem>>) offsets(%dma_start3A_133 : memref<64xi32, #tpu.memory_space<vmem>>) semaphore(%arg13 : memref<!tpu.dma_semaphore, #tpu.memory_space<semaphore_mem>>)
    %dma_start3A_137 = arith.constant 3 : i32
    %dma_start3A_138 = arith.constant 3 : i32
    %dma_start3A_139 = arith.constant 0 : i32
    %dma_start3A_140 = arith.constant 0 : i32
    %dma_start3A_141 = tpu.memref_slice %arg8[%dma_start3A_138, %dma_start3A_139, %dma_start3A_140] : memref<4x64x128xf32, #tpu.memory_space<vmem>> -> memref<1x64x128xf32, #tpu.memory_space<vmem>>
    %dma_start3A_142 = tpu.memref_squeeze %dma_start3A_141 : memref<1x64x128xf32, #tpu.memory_space<vmem>> -> memref<64x128xf32, #tpu.memory_space<vmem>>
    %dma_start3A_143 = arith.constant 0 : i32
    %dma_start3A_144 = tpu.memref_slice %arg6[%dma_start3A_137, %dma_start3A_143] : memref<4x64xi32, #tpu.memory_space<vmem>> -> memref<1x64xi32, #tpu.memory_space<vmem>>
    %dma_start3A_145 = tpu.memref_squeeze %dma_start3A_144 : memref<1x64xi32, #tpu.memory_space<vmem>> -> memref<64xi32, #tpu.memory_space<vmem>>
    %dma_start3A_146 = arith.constant 0 : i32
    %dma_start3A_147 = arith.constant 0 : i32
    %dma_start3A_148 = tpu.memref_slice %arg3[%dma_start3A_146, %dma_start3A_147] : memref<100000x128xf32, #tpu.memory_space<hbm>> -> memref<100000x128xf32, #tpu.memory_space<hbm>>
    tpu.enqueue_indirect_dma source(%dma_start3A_148 : memref<100000x128xf32, #tpu.memory_space<hbm>>) target(%dma_start3A_142 : memref<64x128xf32, #tpu.memory_space<vmem>>) offsets(%dma_start3A_145 : memref<64xi32, #tpu.memory_space<vmem>>) semaphore(%arg14 : memref<!tpu.dma_semaphore, #tpu.memory_space<semaphore_mem>>)
    %dma_wait3A_149 = arith.constant 0 : i32
    %dma_wait3A_150 = tpu.memref_slice %arg4[%mul3A_2, %dma_wait3A_149] : memref<2048x128xf32, #tpu.memory_space<hbm>> -> memref<64x128xf32, #tpu.memory_space<hbm>>
    %dma_wait3A_151 = arith.constant 0 : i32
    %dma_wait3A_152 = tpu.memref_slice %arg4[%mul3A_2, %dma_wait3A_151] : memref<2048x128xf32, #tpu.memory_space<hbm>> -> memref<64x128xf32, #tpu.memory_space<hbm>>
    tpu.wait_dma2 semaphore(%arg10 : memref<!tpu.dma_semaphore, #tpu.memory_space<semaphore_mem>>) src(%dma_wait3A_152 : memref<64x128xf32, #tpu.memory_space<hbm>>) dst(%arg7 : memref<64x128xf32, #tpu.memory_space<vmem>>)
    %dma_wait3A_153 = arith.constant 0 : i32
    %dma_wait3A_154 = arith.constant 0 : i32
    %dma_wait3A_155 = arith.constant 0 : i32
    %dma_wait3A_156 = arith.constant 0 : i32
    %dma_wait3A_157 = tpu.memref_slice %arg8[%dma_wait3A_154, %dma_wait3A_155, %dma_wait3A_156] : memref<4x64x128xf32, #tpu.memory_space<vmem>> -> memref<1x64x128xf32, #tpu.memory_space<vmem>>
    %dma_wait3A_158 = tpu.memref_squeeze %dma_wait3A_157 : memref<1x64x128xf32, #tpu.memory_space<vmem>> -> memref<64x128xf32, #tpu.memory_space<vmem>>
    %dma_wait3A_159 = arith.constant 0 : i32
    %dma_wait3A_160 = tpu.memref_slice %arg6[%dma_wait3A_153, %dma_wait3A_159] : memref<4x64xi32, #tpu.memory_space<vmem>> -> memref<1x64xi32, #tpu.memory_space<vmem>>
    %dma_wait3A_161 = tpu.memref_squeeze %dma_wait3A_160 : memref<1x64xi32, #tpu.memory_space<vmem>> -> memref<64xi32, #tpu.memory_space<vmem>>
    %dma_wait3A_162 = arith.constant 0 : i32
    %dma_wait3A_163 = arith.constant 0 : i32
    %dma_wait3A_164 = tpu.memref_slice %arg3[%dma_wait3A_162, %dma_wait3A_163] : memref<100000x128xf32, #tpu.memory_space<hbm>> -> memref<100000x128xf32, #tpu.memory_space<hbm>>
    tpu.wait_indirect_dma semaphore(%arg11 : memref<!tpu.dma_semaphore, #tpu.memory_space<semaphore_mem>>) src(%dma_wait3A_164 : memref<100000x128xf32, #tpu.memory_space<hbm>>) dst(%dma_wait3A_158 : memref<64x128xf32, #tpu.memory_space<vmem>>)
    %scan3A = arith.constant 0 : i32
    %scan3A_165 = arith.constant 0 : i32
    %scan3A_166 = arith.constant 64 : i32
    %scan3A_167 = arith.addi %scan3A_165, %scan3A_166 : i32
    %scan3A_168 = arith.constant 1 : i32
    scf.for %scan3A_352 = %scan3A_165 to %scan3A_167 step %scan3A_168  : i32 {
      %get3A = arith.constant 0 : i32
      %get3A_353 = arith.index_cast %get3A : i32 to index
      %get3A_354 = arith.index_cast %scan3A_352 : i32 to index
      %get3A_355 = arith.constant 0 : index
      %get3A_356 = tpu.vector_load %arg8[%get3A_353, %get3A_354, %get3A_355] {strides = array<i32>} : memref<4x64x128xf32, #tpu.memory_space<vmem>>, vector<1x1x16xf32>,
      %get3A_357 = vector.shape_cast %get3A_356 : vector<1x1x16xf32> to vector<16xf32>
      %get3A_358 = arith.index_cast %scan3A_352 : i32 to index
      %get3A_359 = arith.constant 0 : index
      %get3A_360 = tpu.vector_load %arg7[%get3A_358, %get3A_359] {strides = array<i32>} : memref<64x128xf32, #tpu.memory_space<vmem>>, vector<1x16xf32>,
      %get3A_361 = vector.shape_cast %get3A_360 : vector<1x16xf32> to vector<16xf32>
      %add3A_362 = arith.addf %get3A_357, %get3A_361 : vector<16xf32>
      %swap3A = arith.constant 0 : i32
      %swap3A_363 = arith.index_cast %swap3A : i32 to index
      %swap3A_364 = arith.index_cast %scan3A_352 : i32 to index
      %swap3A_365 = arith.constant 0 : index
      %swap3A_366 = tpu.vector_load %arg8[%swap3A_363, %swap3A_364, %swap3A_365] {strides = array<i32>} : memref<4x64x128xf32, #tpu.memory_space<vmem>>, vector<1x1x16xf32>,
      %swap3A_367 = vector.shape_cast %swap3A_366 : vector<1x1x16xf32> to vector<16xf32>
      %swap3A_368 = vector.shape_cast %add3A_362 : vector<16xf32> to vector<1x1x16xf32>
      tpu.vector_store %arg8[%swap3A_363, %swap3A_364, %swap3A_365], %swap3A_368 {strides = array<i32>} : memref<4x64x128xf32, #tpu.memory_space<vmem>>, vector<1x1x16xf32>,
      %get3A_369 = arith.constant 0 : i32
      %get3A_370 = arith.index_cast %get3A_369 : i32 to index
      %get3A_371 = arith.index_cast %scan3A_352 : i32 to index
      %get3A_372 = arith.constant 16 : index
      %get3A_373 = tpu.vector_load %arg8[%get3A_370, %get3A_371, %get3A_372] {strides = array<i32>} : memref<4x64x128xf32, #tpu.memory_space<vmem>>, vector<1x1x16xf32>,
      %get3A_374 = vector.shape_cast %get3A_373 : vector<1x1x16xf32> to vector<16xf32>
      %get3A_375 = arith.index_cast %scan3A_352 : i32 to index
      %get3A_376 = arith.constant 16 : index
      %get3A_377 = tpu.vector_load %arg7[%get3A_375, %get3A_376] {strides = array<i32>} : memref<64x128xf32, #tpu.memory_space<vmem>>, vector<1x16xf32>,
      %get3A_378 = vector.shape_cast %get3A_377 : vector<1x16xf32> to vector<16xf32>
      %add3A_379 = arith.addf %get3A_374, %get3A_378 : vector<16xf32>
      %swap3A_380 = arith.constant 0 : i32
      %swap3A_381 = arith.index_cast %swap3A_380 : i32 to index
      %swap3A_382 = arith.index_cast %scan3A_352 : i32 to index
      %swap3A_383 = arith.constant 16 : index
      %swap3A_384 = tpu.vector_load %arg8[%swap3A_381, %swap3A_382, %swap3A_383] {strides = array<i32>} : memref<4x64x128xf32, #tpu.memory_space<vmem>>, vector<1x1x16xf32>,
      %swap3A_385 = vector.shape_cast %swap3A_384 : vector<1x1x16xf32> to vector<16xf32>
      %swap3A_386 = vector.shape_cast %add3A_379 : vector<16xf32> to vector<1x1x16xf32>
      tpu.vector_store %arg8[%swap3A_381, %swap3A_382, %swap3A_383], %swap3A_386 {strides = array<i32>} : memref<4x64x128xf32, #tpu.memory_space<vmem>>, vector<1x1x16xf32>,
      %get3A_387 = arith.constant 0 : i32
      %get3A_388 = arith.index_cast %get3A_387 : i32 to index
      %get3A_389 = arith.index_cast %scan3A_352 : i32 to index
      %get3A_390 = arith.constant 32 : index
      %get3A_391 = tpu.vector_load %arg8[%get3A_388, %get3A_389, %get3A_390] {strides = array<i32>} : memref<4x64x128xf32, #tpu.memory_space<vmem>>, vector<1x1x16xf32>,
      %get3A_392 = vector.shape_cast %get3A_391 : vector<1x1x16xf32> to vector<16xf32>
      %get3A_393 = arith.index_cast %scan3A_352 : i32 to index
      %get3A_394 = arith.constant 32 : index
      %get3A_395 = tpu.vector_load %arg7[%get3A_393, %get3A_394] {strides = array<i32>} : memref<64x128xf32, #tpu.memory_space<vmem>>, vector<1x16xf32>,
      %get3A_396 = vector.shape_cast %get3A_395 : vector<1x16xf32> to vector<16xf32>
      %add3A_397 = arith.addf %get3A_392, %get3A_396 : vector<16xf32>
      %swap3A_398 = arith.constant 0 : i32
      %swap3A_399 = arith.index_cast %swap3A_398 : i32 to index
      %swap3A_400 = arith.index_cast %scan3A_352 : i32 to index
      %swap3A_401 = arith.constant 32 : index
      %swap3A_402 = tpu.vector_load %arg8[%swap3A_399, %swap3A_400, %swap3A_401] {strides = array<i32>} : memref<4x64x128xf32, #tpu.memory_space<vmem>>, vector<1x1x16xf32>,
      %swap3A_403 = vector.shape_cast %swap3A_402 : vector<1x1x16xf32> to vector<16xf32>
      %swap3A_404 = vector.shape_cast %add3A_397 : vector<16xf32> to vector<1x1x16xf32>
      tpu.vector_store %arg8[%swap3A_399, %swap3A_400, %swap3A_401], %swap3A_404 {strides = array<i32>} : memref<4x64x128xf32, #tpu.memory_space<vmem>>, vector<1x1x16xf32>,
      %get3A_405 = arith.constant 0 : i32
      %get3A_406 = arith.index_cast %get3A_405 : i32 to index
      %get3A_407 = arith.index_cast %scan3A_352 : i32 to index
      %get3A_408 = arith.constant 48 : index
      %get3A_409 = tpu.vector_load %arg8[%get3A_406, %get3A_407, %get3A_408] {strides = array<i32>} : memref<4x64x128xf32, #tpu.memory_space<vmem>>, vector<1x1x16xf32>,
      %get3A_410 = vector.shape_cast %get3A_409 : vector<1x1x16xf32> to vector<16xf32>
      %get3A_411 = arith.index_cast %scan3A_352 : i32 to index
      %get3A_412 = arith.constant 48 : index
      %get3A_413 = tpu.vector_load %arg7[%get3A_411, %get3A_412] {strides = array<i32>} : memref<64x128xf32, #tpu.memory_space<vmem>>, vector<1x16xf32>,
      %get3A_414 = vector.shape_cast %get3A_413 : vector<1x16xf32> to vector<16xf32>
      %add3A_415 = arith.addf %get3A_410, %get3A_414 : vector<16xf32>
      %swap3A_416 = arith.constant 0 : i32
      %swap3A_417 = arith.index_cast %swap3A_416 : i32 to index
      %swap3A_418 = arith.index_cast %scan3A_352 : i32 to index
      %swap3A_419 = arith.constant 48 : index
      %swap3A_420 = tpu.vector_load %arg8[%swap3A_417, %swap3A_418, %swap3A_419] {strides = array<i32>} : memref<4x64x128xf32, #tpu.memory_space<vmem>>, vector<1x1x16xf32>,
      %swap3A_421 = vector.shape_cast %swap3A_420 : vector<1x1x16xf32> to vector<16xf32>
      %swap3A_422 = vector.shape_cast %add3A_415 : vector<16xf32> to vector<1x1x16xf32>
      tpu.vector_store %arg8[%swap3A_417, %swap3A_418, %swap3A_419], %swap3A_422 {strides = array<i32>} : memref<4x64x128xf32, #tpu.memory_space<vmem>>, vector<1x1x16xf32>,
      %get3A_423 = arith.constant 0 : i32
      %get3A_424 = arith.index_cast %get3A_423 : i32 to index
      %get3A_425 = arith.index_cast %scan3A_352 : i32 to index
      %get3A_426 = arith.constant 64 : index
      %get3A_427 = tpu.vector_load %arg8[%get3A_424, %get3A_425, %get3A_426] {strides = array<i32>} : memref<4x64x128xf32, #tpu.memory_space<vmem>>, vector<1x1x16xf32>,
      %get3A_428 = vector.shape_cast %get3A_427 : vector<1x1x16xf32> to vector<16xf32>
      %get3A_429 = arith.index_cast %scan3A_352 : i32 to index
      %get3A_430 = arith.constant 64 : index
      %get3A_431 = tpu.vector_load %arg7[%get3A_429, %get3A_430] {strides = array<i32>} : memref<64x128xf32, #tpu.memory_space<vmem>>, vector<1x16xf32>,
      %get3A_432 = vector.shape_cast %get3A_431 : vector<1x16xf32> to vector<16xf32>
      %add3A_433 = arith.addf %get3A_428, %get3A_432 : vector<16xf32>
      %swap3A_434 = arith.constant 0 : i32
      %swap3A_435 = arith.index_cast %swap3A_434 : i32 to index
      %swap3A_436 = arith.index_cast %scan3A_352 : i32 to index
      %swap3A_437 = arith.constant 64 : index
      %swap3A_438 = tpu.vector_load %arg8[%swap3A_435, %swap3A_436, %swap3A_437] {strides = array<i32>} : memref<4x64x128xf32, #tpu.memory_space<vmem>>, vector<1x1x16xf32>,
      %swap3A_439 = vector.shape_cast %swap3A_438 : vector<1x1x16xf32> to vector<16xf32>
      %swap3A_440 = vector.shape_cast %add3A_433 : vector<16xf32> to vector<1x1x16xf32>
      tpu.vector_store %arg8[%swap3A_435, %swap3A_436, %swap3A_437], %swap3A_440 {strides = array<i32>} : memref<4x64x128xf32, #tpu.memory_space<vmem>>, vector<1x1x16xf32>,
      %get3A_441 = arith.constant 0 : i32
      %get3A_442 = arith.index_cast %get3A_441 : i32 to index
      %get3A_443 = arith.index_cast %scan3A_352 : i32 to index
      %get3A_444 = arith.constant 80 : index
      %get3A_445 = tpu.vector_load %arg8[%get3A_442, %get3A_443, %get3A_444] {strides = array<i32>} : memref<4x64x128xf32, #tpu.memory_space<vmem>>, vector<1x1x16xf32>,
      %get3A_446 = vector.shape_cast %get3A_445 : vector<1x1x16xf32> to vector<16xf32>
      %get3A_447 = arith.index_cast %scan3A_352 : i32 to index
      %get3A_448 = arith.constant 80 : index
      %get3A_449 = tpu.vector_load %arg7[%get3A_447, %get3A_448] {strides = array<i32>} : memref<64x128xf32, #tpu.memory_space<vmem>>, vector<1x16xf32>,
      %get3A_450 = vector.shape_cast %get3A_449 : vector<1x16xf32> to vector<16xf32>
      %add3A_451 = arith.addf %get3A_446, %get3A_450 : vector<16xf32>
      %swap3A_452 = arith.constant 0 : i32
      %swap3A_453 = arith.index_cast %swap3A_452 : i32 to index
      %swap3A_454 = arith.index_cast %scan3A_352 : i32 to index
      %swap3A_455 = arith.constant 80 : index
      %swap3A_456 = tpu.vector_load %arg8[%swap3A_453, %swap3A_454, %swap3A_455] {strides = array<i32>} : memref<4x64x128xf32, #tpu.memory_space<vmem>>, vector<1x1x16xf32>,
      %swap3A_457 = vector.shape_cast %swap3A_456 : vector<1x1x16xf32> to vector<16xf32>
      %swap3A_458 = vector.shape_cast %add3A_451 : vector<16xf32> to vector<1x1x16xf32>
      tpu.vector_store %arg8[%swap3A_453, %swap3A_454, %swap3A_455], %swap3A_458 {strides = array<i32>} : memref<4x64x128xf32, #tpu.memory_space<vmem>>, vector<1x1x16xf32>,
      %get3A_459 = arith.constant 0 : i32
      %get3A_460 = arith.index_cast %get3A_459 : i32 to index
      %get3A_461 = arith.index_cast %scan3A_352 : i32 to index
      %get3A_462 = arith.constant 96 : index
      %get3A_463 = tpu.vector_load %arg8[%get3A_460, %get3A_461, %get3A_462] {strides = array<i32>} : memref<4x64x128xf32, #tpu.memory_space<vmem>>, vector<1x1x16xf32>,
      %get3A_464 = vector.shape_cast %get3A_463 : vector<1x1x16xf32> to vector<16xf32>
      %get3A_465 = arith.index_cast %scan3A_352 : i32 to index
      %get3A_466 = arith.constant 96 : index
      %get3A_467 = tpu.vector_load %arg7[%get3A_465, %get3A_466] {strides = array<i32>} : memref<64x128xf32, #tpu.memory_space<vmem>>, vector<1x16xf32>,
      %get3A_468 = vector.shape_cast %get3A_467 : vector<1x16xf32> to vector<16xf32>
      %add3A_469 = arith.addf %get3A_464, %get3A_468 : vector<16xf32>
      %swap3A_470 = arith.constant 0 : i32
      %swap3A_471 = arith.index_cast %swap3A_470 : i32 to index
      %swap3A_472 = arith.index_cast %scan3A_352 : i32 to index
      %swap3A_473 = arith.constant 96 : index
      %swap3A_474 = tpu.vector_load %arg8[%swap3A_471, %swap3A_472, %swap3A_473] {strides = array<i32>} : memref<4x64x128xf32, #tpu.memory_space<vmem>>, vector<1x1x16xf32>,
      %swap3A_475 = vector.shape_cast %swap3A_474 : vector<1x1x16xf32> to vector<16xf32>
      %swap3A_476 = vector.shape_cast %add3A_469 : vector<16xf32> to vector<1x1x16xf32>
      tpu.vector_store %arg8[%swap3A_471, %swap3A_472, %swap3A_473], %swap3A_476 {strides = array<i32>} : memref<4x64x128xf32, #tpu.memory_space<vmem>>, vector<1x1x16xf32>,
      %get3A_477 = arith.constant 0 : i32
      %get3A_478 = arith.index_cast %get3A_477 : i32 to index
      %get3A_479 = arith.index_cast %scan3A_352 : i32 to index
      %get3A_480 = arith.constant 112 : index
      %get3A_481 = tpu.vector_load %arg8[%get3A_478, %get3A_479, %get3A_480] {strides = array<i32>} : memref<4x64x128xf32, #tpu.memory_space<vmem>>, vector<1x1x16xf32>,
      %get3A_482 = vector.shape_cast %get3A_481 : vector<1x1x16xf32> to vector<16xf32>
      %get3A_483 = arith.index_cast %scan3A_352 : i32 to index
      %get3A_484 = arith.constant 112 : index
      %get3A_485 = tpu.vector_load %arg7[%get3A_483, %get3A_484] {strides = array<i32>} : memref<64x128xf32, #tpu.memory_space<vmem>>, vector<1x16xf32>,
      %get3A_486 = vector.shape_cast %get3A_485 : vector<1x16xf32> to vector<16xf32>
      %add3A_487 = arith.addf %get3A_482, %get3A_486 : vector<16xf32>
      %swap3A_488 = arith.constant 0 : i32
      %swap3A_489 = arith.index_cast %swap3A_488 : i32 to index
      %swap3A_490 = arith.index_cast %scan3A_352 : i32 to index
      %swap3A_491 = arith.constant 112 : index
      %swap3A_492 = tpu.vector_load %arg8[%swap3A_489, %swap3A_490, %swap3A_491] {strides = array<i32>} : memref<4x64x128xf32, #tpu.memory_space<vmem>>, vector<1x1x16xf32>,
      %swap3A_493 = vector.shape_cast %swap3A_492 : vector<1x1x16xf32> to vector<16xf32>
      %swap3A_494 = vector.shape_cast %add3A_487 : vector<16xf32> to vector<1x1x16xf32>
      tpu.vector_store %arg8[%swap3A_489, %swap3A_490, %swap3A_491], %swap3A_494 {strides = array<i32>} : memref<4x64x128xf32, #tpu.memory_space<vmem>>, vector<1x1x16xf32>,
    }
    %scan3A_169 = arith.constant 64 : i32
    %dma_start3A_170 = arith.constant 0 : i32
    %dma_start3A_171 = arith.constant 0 : i32
    %dma_start3A_172 = arith.constant 0 : i32
    %dma_start3A_173 = arith.constant 0 : i32
    %dma_start3A_174 = tpu.memref_slice %arg8[%dma_start3A_170, %dma_start3A_172, %dma_start3A_173] : memref<4x64x128xf32, #tpu.memory_space<vmem>> -> memref<1x64x128xf32, #tpu.memory_space<vmem>>
    %dma_start3A_175 = tpu.memref_squeeze %dma_start3A_174 : memref<1x64x128xf32, #tpu.memory_space<vmem>> -> memref<64x128xf32, #tpu.memory_space<vmem>>
    %dma_start3A_176 = arith.constant 0 : i32
    %dma_start3A_177 = tpu.memref_slice %arg5[%dma_start3A_171, %mul3A_2, %dma_start3A_176] : memref<4x2048x128xf32, #tpu.memory_space<hbm>> -> memref<1x64x128xf32, #tpu.memory_space<hbm>>
    %dma_start3A_178 = tpu.memref_squeeze %dma_start3A_177 : memref<1x64x128xf32, #tpu.memory_space<hbm>> -> memref<64x128xf32, #tpu.memory_space<hbm>>
    %dma_start3A_179 = arith.constant 0 : i32
    %dma_start3A_180 = tpu.memref_slice %arg5[%dma_start3A_171, %mul3A_2, %dma_start3A_179] : memref<4x2048x128xf32, #tpu.memory_space<hbm>> -> memref<1x64x128xf32, #tpu.memory_space<hbm>>
    %dma_start3A_181 = tpu.memref_squeeze %dma_start3A_180 : memref<1x64x128xf32, #tpu.memory_space<hbm>> -> memref<64x128xf32, #tpu.memory_space<hbm>>
    %dma_start3A_182 = arith.constant 0 : i32
    %dma_start3A_183 = arith.constant 0 : i32
    %dma_start3A_184 = tpu.memref_slice %arg8[%dma_start3A_170, %dma_start3A_182, %dma_start3A_183] : memref<4x64x128xf32, #tpu.memory_space<vmem>> -> memref<1x64x128xf32, #tpu.memory_space<vmem>>
    %dma_start3A_185 = tpu.memref_squeeze %dma_start3A_184 : memref<1x64x128xf32, #tpu.memory_space<vmem>> -> memref<64x128xf32, #tpu.memory_space<vmem>>
    tpu.enqueue_dma source(%dma_start3A_185 : memref<64x128xf32, #tpu.memory_space<vmem>>) target(%dma_start3A_181 : memref<64x128xf32, #tpu.memory_space<hbm>>) target_semaphore(%arg15 : memref<!tpu.dma_semaphore, #tpu.memory_space<semaphore_mem>>)
    %dma_wait3A_186 = arith.constant 1 : i32
    %dma_wait3A_187 = arith.constant 1 : i32
    %dma_wait3A_188 = arith.constant 0 : i32
    %dma_wait3A_189 = arith.constant 0 : i32
    %dma_wait3A_190 = tpu.memref_slice %arg8[%dma_wait3A_187, %dma_wait3A_188, %dma_wait3A_189] : memref<4x64x128xf32, #tpu.memory_space<vmem>> -> memref<1x64x128xf32, #tpu.memory_space<vmem>>
    %dma_wait3A_191 = tpu.memref_squeeze %dma_wait3A_190 : memref<1x64x128xf32, #tpu.memory_space<vmem>> -> memref<64x128xf32, #tpu.memory_space<vmem>>
    %dma_wait3A_192 = arith.constant 0 : i32
    %dma_wait3A_193 = tpu.memref_slice %arg6[%dma_wait3A_186, %dma_wait3A_192] : memref<4x64xi32, #tpu.memory_space<vmem>> -> memref<1x64xi32, #tpu.memory_space<vmem>>
    %dma_wait3A_194 = tpu.memref_squeeze %dma_wait3A_193 : memref<1x64xi32, #tpu.memory_space<vmem>> -> memref<64xi32, #tpu.memory_space<vmem>>
    %dma_wait3A_195 = arith.constant 0 : i32
    %dma_wait3A_196 = arith.constant 0 : i32
    %dma_wait3A_197 = tpu.memref_slice %arg3[%dma_wait3A_195, %dma_wait3A_196] : memref<100000x128xf32, #tpu.memory_space<hbm>> -> memref<100000x128xf32, #tpu.memory_space<hbm>>
    tpu.wait_indirect_dma semaphore(%arg12 : memref<!tpu.dma_semaphore, #tpu.memory_space<semaphore_mem>>) src(%dma_wait3A_197 : memref<100000x128xf32, #tpu.memory_space<hbm>>) dst(%dma_wait3A_191 : memref<64x128xf32, #tpu.memory_space<vmem>>)
    %scan3A_198 = arith.constant 0 : i32
    %scan3A_199 = arith.constant 0 : i32
    %scan3A_200 = arith.constant 64 : i32
    %scan3A_201 = arith.addi %scan3A_199, %scan3A_200 : i32
    %scan3A_202 = arith.constant 1 : i32
    scf.for %scan3A_352 = %scan3A_199 to %scan3A_201 step %scan3A_202  : i32 {
      %get3A = arith.constant 1 : i32
      %get3A_353 = arith.index_cast %get3A : i32 to index
      %get3A_354 = arith.index_cast %scan3A_352 : i32 to index
      %get3A_355 = arith.constant 0 : index
      %get3A_356 = tpu.vector_load %arg8[%get3A_353, %get3A_354, %get3A_355] {strides = array<i32>} : memref<4x64x128xf32, #tpu.memory_space<vmem>>, vector<1x1x16xf32>,
      %get3A_357 = vector.shape_cast %get3A_356 : vector<1x1x16xf32> to vector<16xf32>
      %get3A_358 = arith.index_cast %scan3A_352 : i32 to index
      %get3A_359 = arith.constant 0 : index
      %get3A_360 = tpu.vector_load %arg7[%get3A_358, %get3A_359] {strides = array<i32>} : memref<64x128xf32, #tpu.memory_space<vmem>>, vector<1x16xf32>,
      %get3A_361 = vector.shape_cast %get3A_360 : vector<1x16xf32> to vector<16xf32>
      %add3A_362 = arith.addf %get3A_357, %get3A_361 : vector<16xf32>
      %swap3A = arith.constant 1 : i32
      %swap3A_363 = arith.index_cast %swap3A : i32 to index
      %swap3A_364 = arith.index_cast %scan3A_352 : i32 to index
      %swap3A_365 = arith.constant 0 : index
      %swap3A_366 = tpu.vector_load %arg8[%swap3A_363, %swap3A_364, %swap3A_365] {strides = array<i32>} : memref<4x64x128xf32, #tpu.memory_space<vmem>>, vector<1x1x16xf32>,
      %swap3A_367 = vector.shape_cast %swap3A_366 : vector<1x1x16xf32> to vector<16xf32>
      %swap3A_368 = vector.shape_cast %add3A_362 : vector<16xf32> to vector<1x1x16xf32>
      tpu.vector_store %arg8[%swap3A_363, %swap3A_364, %swap3A_365], %swap3A_368 {strides = array<i32>} : memref<4x64x128xf32, #tpu.memory_space<vmem>>, vector<1x1x16xf32>,
      %get3A_369 = arith.constant 1 : i32
      %get3A_370 = arith.index_cast %get3A_369 : i32 to index
      %get3A_371 = arith.index_cast %scan3A_352 : i32 to index
      %get3A_372 = arith.constant 16 : index
      %get3A_373 = tpu.vector_load %arg8[%get3A_370, %get3A_371, %get3A_372] {strides = array<i32>} : memref<4x64x128xf32, #tpu.memory_space<vmem>>, vector<1x1x16xf32>,
      %get3A_374 = vector.shape_cast %get3A_373 : vector<1x1x16xf32> to vector<16xf32>
      %get3A_375 = arith.index_cast %scan3A_352 : i32 to index
      %get3A_376 = arith.constant 16 : index
      %get3A_377 = tpu.vector_load %arg7[%get3A_375, %get3A_376] {strides = array<i32>} : memref<64x128xf32, #tpu.memory_space<vmem>>, vector<1x16xf32>,
      %get3A_378 = vector.shape_cast %get3A_377 : vector<1x16xf32> to vector<16xf32>
      %add3A_379 = arith.addf %get3A_374, %get3A_378 : vector<16xf32>
      %swap3A_380 = arith.constant 1 : i32
      %swap3A_381 = arith.index_cast %swap3A_380 : i32 to index
      %swap3A_382 = arith.index_cast %scan3A_352 : i32 to index
      %swap3A_383 = arith.constant 16 : index
      %swap3A_384 = tpu.vector_load %arg8[%swap3A_381, %swap3A_382, %swap3A_383] {strides = array<i32>} : memref<4x64x128xf32, #tpu.memory_space<vmem>>, vector<1x1x16xf32>,
      %swap3A_385 = vector.shape_cast %swap3A_384 : vector<1x1x16xf32> to vector<16xf32>
      %swap3A_386 = vector.shape_cast %add3A_379 : vector<16xf32> to vector<1x1x16xf32>
      tpu.vector_store %arg8[%swap3A_381, %swap3A_382, %swap3A_383], %swap3A_386 {strides = array<i32>} : memref<4x64x128xf32, #tpu.memory_space<vmem>>, vector<1x1x16xf32>,
      %get3A_387 = arith.constant 1 : i32
      %get3A_388 = arith.index_cast %get3A_387 : i32 to index
      %get3A_389 = arith.index_cast %scan3A_352 : i32 to index
      %get3A_390 = arith.constant 32 : index
      %get3A_391 = tpu.vector_load %arg8[%get3A_388, %get3A_389, %get3A_390] {strides = array<i32>} : memref<4x64x128xf32, #tpu.memory_space<vmem>>, vector<1x1x16xf32>,
      %get3A_392 = vector.shape_cast %get3A_391 : vector<1x1x16xf32> to vector<16xf32>
      %get3A_393 = arith.index_cast %scan3A_352 : i32 to index
      %get3A_394 = arith.constant 32 : index
      %get3A_395 = tpu.vector_load %arg7[%get3A_393, %get3A_394] {strides = array<i32>} : memref<64x128xf32, #tpu.memory_space<vmem>>, vector<1x16xf32>,
      %get3A_396 = vector.shape_cast %get3A_395 : vector<1x16xf32> to vector<16xf32>
      %add3A_397 = arith.addf %get3A_392, %get3A_396 : vector<16xf32>
      %swap3A_398 = arith.constant 1 : i32
      %swap3A_399 = arith.index_cast %swap3A_398 : i32 to index
      %swap3A_400 = arith.index_cast %scan3A_352 : i32 to index
      %swap3A_401 = arith.constant 32 : index
      %swap3A_402 = tpu.vector_load %arg8[%swap3A_399, %swap3A_400, %swap3A_401] {strides = array<i32>} : memref<4x64x128xf32, #tpu.memory_space<vmem>>, vector<1x1x16xf32>,
      %swap3A_403 = vector.shape_cast %swap3A_402 : vector<1x1x16xf32> to vector<16xf32>
      %swap3A_404 = vector.shape_cast %add3A_397 : vector<16xf32> to vector<1x1x16xf32>
      tpu.vector_store %arg8[%swap3A_399, %swap3A_400, %swap3A_401], %swap3A_404 {strides = array<i32>} : memref<4x64x128xf32, #tpu.memory_space<vmem>>, vector<1x1x16xf32>,
      %get3A_405 = arith.constant 1 : i32
      %get3A_406 = arith.index_cast %get3A_405 : i32 to index
      %get3A_407 = arith.index_cast %scan3A_352 : i32 to index
      %get3A_408 = arith.constant 48 : index
      %get3A_409 = tpu.vector_load %arg8[%get3A_406, %get3A_407, %get3A_408] {strides = array<i32>} : memref<4x64x128xf32, #tpu.memory_space<vmem>>, vector<1x1x16xf32>,
      %get3A_410 = vector.shape_cast %get3A_409 : vector<1x1x16xf32> to vector<16xf32>
      %get3A_411 = arith.index_cast %scan3A_352 : i32 to index
      %get3A_412 = arith.constant 48 : index
      %get3A_413 = tpu.vector_load %arg7[%get3A_411, %get3A_412] {strides = array<i32>} : memref<64x128xf32, #tpu.memory_space<vmem>>, vector<1x16xf32>,
      %get3A_414 = vector.shape_cast %get3A_413 : vector<1x16xf32> to vector<16xf32>
      %add3A_415 = arith.addf %get3A_410, %get3A_414 : vector<16xf32>
      %swap3A_416 = arith.constant 1 : i32
      %swap3A_417 = arith.index_cast %swap3A_416 : i32 to index
      %swap3A_418 = arith.index_cast %scan3A_352 : i32 to index
      %swap3A_419 = arith.constant 48 : index
      %swap3A_420 = tpu.vector_load %arg8[%swap3A_417, %swap3A_418, %swap3A_419] {strides = array<i32>} : memref<4x64x128xf32, #tpu.memory_space<vmem>>, vector<1x1x16xf32>,
      %swap3A_421 = vector.shape_cast %swap3A_420 : vector<1x1x16xf32> to vector<16xf32>
      %swap3A_422 = vector.shape_cast %add3A_415 : vector<16xf32> to vector<1x1x16xf32>
      tpu.vector_store %arg8[%swap3A_417, %swap3A_418, %swap3A_419], %swap3A_422 {strides = array<i32>} : memref<4x64x128xf32, #tpu.memory_space<vmem>>, vector<1x1x16xf32>,
      %get3A_423 = arith.constant 1 : i32
      %get3A_424 = arith.index_cast %get3A_423 : i32 to index
      %get3A_425 = arith.index_cast %scan3A_352 : i32 to index
      %get3A_426 = arith.constant 64 : index
      %get3A_427 = tpu.vector_load %arg8[%get3A_424, %get3A_425, %get3A_426] {strides = array<i32>} : memref<4x64x128xf32, #tpu.memory_space<vmem>>, vector<1x1x16xf32>,
      %get3A_428 = vector.shape_cast %get3A_427 : vector<1x1x16xf32> to vector<16xf32>
      %get3A_429 = arith.index_cast %scan3A_352 : i32 to index
      %get3A_430 = arith.constant 64 : index
      %get3A_431 = tpu.vector_load %arg7[%get3A_429, %get3A_430] {strides = array<i32>} : memref<64x128xf32, #tpu.memory_space<vmem>>, vector<1x16xf32>,
      %get3A_432 = vector.shape_cast %get3A_431 : vector<1x16xf32> to vector<16xf32>
      %add3A_433 = arith.addf %get3A_428, %get3A_432 : vector<16xf32>
      %swap3A_434 = arith.constant 1 : i32
      %swap3A_435 = arith.index_cast %swap3A_434 : i32 to index
      %swap3A_436 = arith.index_cast %scan3A_352 : i32 to index
      %swap3A_437 = arith.constant 64 : index
      %swap3A_438 = tpu.vector_load %arg8[%swap3A_435, %swap3A_436, %swap3A_437] {strides = array<i32>} : memref<4x64x128xf32, #tpu.memory_space<vmem>>, vector<1x1x16xf32>,
      %swap3A_439 = vector.shape_cast %swap3A_438 : vector<1x1x16xf32> to vector<16xf32>
      %swap3A_440 = vector.shape_cast %add3A_433 : vector<16xf32> to vector<1x1x16xf32>
      tpu.vector_store %arg8[%swap3A_435, %swap3A_436, %swap3A_437], %swap3A_440 {strides = array<i32>} : memref<4x64x128xf32, #tpu.memory_space<vmem>>, vector<1x1x16xf32>,
      %get3A_441 = arith.constant 1 : i32
      %get3A_442 = arith.index_cast %get3A_441 : i32 to index
      %get3A_443 = arith.index_cast %scan3A_352 : i32 to index
      %get3A_444 = arith.constant 80 : index
      %get3A_445 = tpu.vector_load %arg8[%get3A_442, %get3A_443, %get3A_444] {strides = array<i32>} : memref<4x64x128xf32, #tpu.memory_space<vmem>>, vector<1x1x16xf32>,
      %get3A_446 = vector.shape_cast %get3A_445 : vector<1x1x16xf32> to vector<16xf32>
      %get3A_447 = arith.index_cast %scan3A_352 : i32 to index
      %get3A_448 = arith.constant 80 : index
      %get3A_449 = tpu.vector_load %arg7[%get3A_447, %get3A_448] {strides = array<i32>} : memref<64x128xf32, #tpu.memory_space<vmem>>, vector<1x16xf32>,
      %get3A_450 = vector.shape_cast %get3A_449 : vector<1x16xf32> to vector<16xf32>
      %add3A_451 = arith.addf %get3A_446, %get3A_450 : vector<16xf32>
      %swap3A_452 = arith.constant 1 : i32
      %swap3A_453 = arith.index_cast %swap3A_452 : i32 to index
      %swap3A_454 = arith.index_cast %scan3A_352 : i32 to index
      %swap3A_455 = arith.constant 80 : index
      %swap3A_456 = tpu.vector_load %arg8[%swap3A_453, %swap3A_454, %swap3A_455] {strides = array<i32>} : memref<4x64x128xf32, #tpu.memory_space<vmem>>, vector<1x1x16xf32>,
      %swap3A_457 = vector.shape_cast %swap3A_456 : vector<1x1x16xf32> to vector<16xf32>
      %swap3A_458 = vector.shape_cast %add3A_451 : vector<16xf32> to vector<1x1x16xf32>
      tpu.vector_store %arg8[%swap3A_453, %swap3A_454, %swap3A_455], %swap3A_458 {strides = array<i32>} : memref<4x64x128xf32, #tpu.memory_space<vmem>>, vector<1x1x16xf32>,
      %get3A_459 = arith.constant 1 : i32
      %get3A_460 = arith.index_cast %get3A_459 : i32 to index
      %get3A_461 = arith.index_cast %scan3A_352 : i32 to index
      %get3A_462 = arith.constant 96 : index
      %get3A_463 = tpu.vector_load %arg8[%get3A_460, %get3A_461, %get3A_462] {strides = array<i32>} : memref<4x64x128xf32, #tpu.memory_space<vmem>>, vector<1x1x16xf32>,
      %get3A_464 = vector.shape_cast %get3A_463 : vector<1x1x16xf32> to vector<16xf32>
      %get3A_465 = arith.index_cast %scan3A_352 : i32 to index
      %get3A_466 = arith.constant 96 : index
      %get3A_467 = tpu.vector_load %arg7[%get3A_465, %get3A_466] {strides = array<i32>} : memref<64x128xf32, #tpu.memory_space<vmem>>, vector<1x16xf32>,
      %get3A_468 = vector.shape_cast %get3A_467 : vector<1x16xf32> to vector<16xf32>
      %add3A_469 = arith.addf %get3A_464, %get3A_468 : vector<16xf32>
      %swap3A_470 = arith.constant 1 : i32
      %swap3A_471 = arith.index_cast %swap3A_470 : i32 to index
      %swap3A_472 = arith.index_cast %scan3A_352 : i32 to index
      %swap3A_473 = arith.constant 96 : index
      %swap3A_474 = tpu.vector_load %arg8[%swap3A_471, %swap3A_472, %swap3A_473] {strides = array<i32>} : memref<4x64x128xf32, #tpu.memory_space<vmem>>, vector<1x1x16xf32>,
      %swap3A_475 = vector.shape_cast %swap3A_474 : vector<1x1x16xf32> to vector<16xf32>
      %swap3A_476 = vector.shape_cast %add3A_469 : vector<16xf32> to vector<1x1x16xf32>
      tpu.vector_store %arg8[%swap3A_471, %swap3A_472, %swap3A_473], %swap3A_476 {strides = array<i32>} : memref<4x64x128xf32, #tpu.memory_space<vmem>>, vector<1x1x16xf32>,
      %get3A_477 = arith.constant 1 : i32
      %get3A_478 = arith.index_cast %get3A_477 : i32 to index
      %get3A_479 = arith.index_cast %scan3A_352 : i32 to index
      %get3A_480 = arith.constant 112 : index
      %get3A_481 = tpu.vector_load %arg8[%get3A_478, %get3A_479, %get3A_480] {strides = array<i32>} : memref<4x64x128xf32, #tpu.memory_space<vmem>>, vector<1x1x16xf32>,
      %get3A_482 = vector.shape_cast %get3A_481 : vector<1x1x16xf32> to vector<16xf32>
      %get3A_483 = arith.index_cast %scan3A_352 : i32 to index
      %get3A_484 = arith.constant 112 : index
      %get3A_485 = tpu.vector_load %arg7[%get3A_483, %get3A_484] {strides = array<i32>} : memref<64x128xf32, #tpu.memory_space<vmem>>, vector<1x16xf32>,
      %get3A_486 = vector.shape_cast %get3A_485 : vector<1x16xf32> to vector<16xf32>
      %add3A_487 = arith.addf %get3A_482, %get3A_486 : vector<16xf32>
      %swap3A_488 = arith.constant 1 : i32
      %swap3A_489 = arith.index_cast %swap3A_488 : i32 to index
      %swap3A_490 = arith.index_cast %scan3A_352 : i32 to index
      %swap3A_491 = arith.constant 112 : index
      %swap3A_492 = tpu.vector_load %arg8[%swap3A_489, %swap3A_490, %swap3A_491] {strides = array<i32>} : memref<4x64x128xf32, #tpu.memory_space<vmem>>, vector<1x1x16xf32>,
      %swap3A_493 = vector.shape_cast %swap3A_492 : vector<1x1x16xf32> to vector<16xf32>
      %swap3A_494 = vector.shape_cast %add3A_487 : vector<16xf32> to vector<1x1x16xf32>
      tpu.vector_store %arg8[%swap3A_489, %swap3A_490, %swap3A_491], %swap3A_494 {strides = array<i32>} : memref<4x64x128xf32, #tpu.memory_space<vmem>>, vector<1x1x16xf32>,
    }
    %scan3A_203 = arith.constant 64 : i32
    %dma_start3A_204 = arith.constant 1 : i32
    %dma_start3A_205 = arith.constant 1 : i32
    %dma_start3A_206 = arith.constant 0 : i32
    %dma_start3A_207 = arith.constant 0 : i32
    %dma_start3A_208 = tpu.memref_slice %arg8[%dma_start3A_204, %dma_start3A_206, %dma_start3A_207] : memref<4x64x128xf32, #tpu.memory_space<vmem>> -> memref<1x64x128xf32, #tpu.memory_space<vmem>>
    %dma_start3A_209 = tpu.memref_squeeze %dma_start3A_208 : memref<1x64x128xf32, #tpu.memory_space<vmem>> -> memref<64x128xf32, #tpu.memory_space<vmem>>
    %dma_start3A_210 = arith.constant 0 : i32
    %dma_start3A_211 = tpu.memref_slice %arg5[%dma_start3A_205, %mul3A_2, %dma_start3A_210] : memref<4x2048x128xf32, #tpu.memory_space<hbm>> -> memref<1x64x128xf32, #tpu.memory_space<hbm>>
    %dma_start3A_212 = tpu.memref_squeeze %dma_start3A_211 : memref<1x64x128xf32, #tpu.memory_space<hbm>> -> memref<64x128xf32, #tpu.memory_space<hbm>>
    %dma_start3A_213 = arith.constant 0 : i32
    %dma_start3A_214 = tpu.memref_slice %arg5[%dma_start3A_205, %mul3A_2, %dma_start3A_213] : memref<4x2048x128xf32, #tpu.memory_space<hbm>> -> memref<1x64x128xf32, #tpu.memory_space<hbm>>
    %dma_start3A_215 = tpu.memref_squeeze %dma_start3A_214 : memref<1x64x128xf32, #tpu.memory_space<hbm>> -> memref<64x128xf32, #tpu.memory_space<hbm>>
    %dma_start3A_216 = arith.constant 0 : i32
    %dma_start3A_217 = arith.constant 0 : i32
    %dma_start3A_218 = tpu.memref_slice %arg8[%dma_start3A_204, %dma_start3A_216, %dma_start3A_217] : memref<4x64x128xf32, #tpu.memory_space<vmem>> -> memref<1x64x128xf32, #tpu.memory_space<vmem>>
    %dma_start3A_219 = tpu.memref_squeeze %dma_start3A_218 : memref<1x64x128xf32, #tpu.memory_space<vmem>> -> memref<64x128xf32, #tpu.memory_space<vmem>>
    tpu.enqueue_dma source(%dma_start3A_219 : memref<64x128xf32, #tpu.memory_space<vmem>>) target(%dma_start3A_215 : memref<64x128xf32, #tpu.memory_space<hbm>>) target_semaphore(%arg15 : memref<!tpu.dma_semaphore, #tpu.memory_space<semaphore_mem>>)
    %dma_wait3A_220 = arith.constant 2 : i32
    %dma_wait3A_221 = arith.constant 2 : i32
    %dma_wait3A_222 = arith.constant 0 : i32
    %dma_wait3A_223 = arith.constant 0 : i32
    %dma_wait3A_224 = tpu.memref_slice %arg8[%dma_wait3A_221, %dma_wait3A_222, %dma_wait3A_223] : memref<4x64x128xf32, #tpu.memory_space<vmem>> -> memref<1x64x128xf32, #tpu.memory_space<vmem>>
    %dma_wait3A_225 = tpu.memref_squeeze %dma_wait3A_224 : memref<1x64x128xf32, #tpu.memory_space<vmem>> -> memref<64x128xf32, #tpu.memory_space<vmem>>
    %dma_wait3A_226 = arith.constant 0 : i32
    %dma_wait3A_227 = tpu.memref_slice %arg6[%dma_wait3A_220, %dma_wait3A_226] : memref<4x64xi32, #tpu.memory_space<vmem>> -> memref<1x64xi32, #tpu.memory_space<vmem>>
    %dma_wait3A_228 = tpu.memref_squeeze %dma_wait3A_227 : memref<1x64xi32, #tpu.memory_space<vmem>> -> memref<64xi32, #tpu.memory_space<vmem>>
    %dma_wait3A_229 = arith.constant 0 : i32
    %dma_wait3A_230 = arith.constant 0 : i32
    %dma_wait3A_231 = tpu.memref_slice %arg3[%dma_wait3A_229, %dma_wait3A_230] : memref<100000x128xf32, #tpu.memory_space<hbm>> -> memref<100000x128xf32, #tpu.memory_space<hbm>>
    tpu.wait_indirect_dma semaphore(%arg13 : memref<!tpu.dma_semaphore, #tpu.memory_space<semaphore_mem>>) src(%dma_wait3A_231 : memref<100000x128xf32, #tpu.memory_space<hbm>>) dst(%dma_wait3A_225 : memref<64x128xf32, #tpu.memory_space<vmem>>)
    %scan3A_232 = arith.constant 0 : i32
    %scan3A_233 = arith.constant 0 : i32
    %scan3A_234 = arith.constant 64 : i32
    %scan3A_235 = arith.addi %scan3A_233, %scan3A_234 : i32
    %scan3A_236 = arith.constant 1 : i32
    scf.for %scan3A_352 = %scan3A_233 to %scan3A_235 step %scan3A_236  : i32 {
      %get3A = arith.constant 2 : i32
      %get3A_353 = arith.index_cast %get3A : i32 to index
      %get3A_354 = arith.index_cast %scan3A_352 : i32 to index
      %get3A_355 = arith.constant 0 : index
      %get3A_356 = tpu.vector_load %arg8[%get3A_353, %get3A_354, %get3A_355] {strides = array<i32>} : memref<4x64x128xf32, #tpu.memory_space<vmem>>, vector<1x1x16xf32>,
      %get3A_357 = vector.shape_cast %get3A_356 : vector<1x1x16xf32> to vector<16xf32>
      %get3A_358 = arith.index_cast %scan3A_352 : i32 to index
      %get3A_359 = arith.constant 0 : index
      %get3A_360 = tpu.vector_load %arg7[%get3A_358, %get3A_359] {strides = array<i32>} : memref<64x128xf32, #tpu.memory_space<vmem>>, vector<1x16xf32>,
      %get3A_361 = vector.shape_cast %get3A_360 : vector<1x16xf32> to vector<16xf32>
      %add3A_362 = arith.addf %get3A_357, %get3A_361 : vector<16xf32>
      %swap3A = arith.constant 2 : i32
      %swap3A_363 = arith.index_cast %swap3A : i32 to index
      %swap3A_364 = arith.index_cast %scan3A_352 : i32 to index
      %swap3A_365 = arith.constant 0 : index
      %swap3A_366 = tpu.vector_load %arg8[%swap3A_363, %swap3A_364, %swap3A_365] {strides = array<i32>} : memref<4x64x128xf32, #tpu.memory_space<vmem>>, vector<1x1x16xf32>,
      %swap3A_367 = vector.shape_cast %swap3A_366 : vector<1x1x16xf32> to vector<16xf32>
      %swap3A_368 = vector.shape_cast %add3A_362 : vector<16xf32> to vector<1x1x16xf32>
      tpu.vector_store %arg8[%swap3A_363, %swap3A_364, %swap3A_365], %swap3A_368 {strides = array<i32>} : memref<4x64x128xf32, #tpu.memory_space<vmem>>, vector<1x1x16xf32>,
      %get3A_369 = arith.constant 2 : i32
      %get3A_370 = arith.index_cast %get3A_369 : i32 to index
      %get3A_371 = arith.index_cast %scan3A_352 : i32 to index
      %get3A_372 = arith.constant 16 : index
      %get3A_373 = tpu.vector_load %arg8[%get3A_370, %get3A_371, %get3A_372] {strides = array<i32>} : memref<4x64x128xf32, #tpu.memory_space<vmem>>, vector<1x1x16xf32>,
      %get3A_374 = vector.shape_cast %get3A_373 : vector<1x1x16xf32> to vector<16xf32>
      %get3A_375 = arith.index_cast %scan3A_352 : i32 to index
      %get3A_376 = arith.constant 16 : index
      %get3A_377 = tpu.vector_load %arg7[%get3A_375, %get3A_376] {strides = array<i32>} : memref<64x128xf32, #tpu.memory_space<vmem>>, vector<1x16xf32>,
      %get3A_378 = vector.shape_cast %get3A_377 : vector<1x16xf32> to vector<16xf32>
      %add3A_379 = arith.addf %get3A_374, %get3A_378 : vector<16xf32>
      %swap3A_380 = arith.constant 2 : i32
      %swap3A_381 = arith.index_cast %swap3A_380 : i32 to index
      %swap3A_382 = arith.index_cast %scan3A_352 : i32 to index
      %swap3A_383 = arith.constant 16 : index
      %swap3A_384 = tpu.vector_load %arg8[%swap3A_381, %swap3A_382, %swap3A_383] {strides = array<i32>} : memref<4x64x128xf32, #tpu.memory_space<vmem>>, vector<1x1x16xf32>,
      %swap3A_385 = vector.shape_cast %swap3A_384 : vector<1x1x16xf32> to vector<16xf32>
      %swap3A_386 = vector.shape_cast %add3A_379 : vector<16xf32> to vector<1x1x16xf32>
      tpu.vector_store %arg8[%swap3A_381, %swap3A_382, %swap3A_383], %swap3A_386 {strides = array<i32>} : memref<4x64x128xf32, #tpu.memory_space<vmem>>, vector<1x1x16xf32>,
      %get3A_387 = arith.constant 2 : i32
      %get3A_388 = arith.index_cast %get3A_387 : i32 to index
      %get3A_389 = arith.index_cast %scan3A_352 : i32 to index
      %get3A_390 = arith.constant 32 : index
      %get3A_391 = tpu.vector_load %arg8[%get3A_388, %get3A_389, %get3A_390] {strides = array<i32>} : memref<4x64x128xf32, #tpu.memory_space<vmem>>, vector<1x1x16xf32>,
      %get3A_392 = vector.shape_cast %get3A_391 : vector<1x1x16xf32> to vector<16xf32>
      %get3A_393 = arith.index_cast %scan3A_352 : i32 to index
      %get3A_394 = arith.constant 32 : index
      %get3A_395 = tpu.vector_load %arg7[%get3A_393, %get3A_394] {strides = array<i32>} : memref<64x128xf32, #tpu.memory_space<vmem>>, vector<1x16xf32>,
      %get3A_396 = vector.shape_cast %get3A_395 : vector<1x16xf32> to vector<16xf32>
      %add3A_397 = arith.addf %get3A_392, %get3A_396 : vector<16xf32>
      %swap3A_398 = arith.constant 2 : i32
      %swap3A_399 = arith.index_cast %swap3A_398 : i32 to index
      %swap3A_400 = arith.index_cast %scan3A_352 : i32 to index
      %swap3A_401 = arith.constant 32 : index
      %swap3A_402 = tpu.vector_load %arg8[%swap3A_399, %swap3A_400, %swap3A_401] {strides = array<i32>} : memref<4x64x128xf32, #tpu.memory_space<vmem>>, vector<1x1x16xf32>,
      %swap3A_403 = vector.shape_cast %swap3A_402 : vector<1x1x16xf32> to vector<16xf32>
      %swap3A_404 = vector.shape_cast %add3A_397 : vector<16xf32> to vector<1x1x16xf32>
      tpu.vector_store %arg8[%swap3A_399, %swap3A_400, %swap3A_401], %swap3A_404 {strides = array<i32>} : memref<4x64x128xf32, #tpu.memory_space<vmem>>, vector<1x1x16xf32>,
      %get3A_405 = arith.constant 2 : i32
      %get3A_406 = arith.index_cast %get3A_405 : i32 to index
      %get3A_407 = arith.index_cast %scan3A_352 : i32 to index
      %get3A_408 = arith.constant 48 : index
      %get3A_409 = tpu.vector_load %arg8[%get3A_406, %get3A_407, %get3A_408] {strides = array<i32>} : memref<4x64x128xf32, #tpu.memory_space<vmem>>, vector<1x1x16xf32>,
      %get3A_410 = vector.shape_cast %get3A_409 : vector<1x1x16xf32> to vector<16xf32>
      %get3A_411 = arith.index_cast %scan3A_352 : i32 to index
      %get3A_412 = arith.constant 48 : index
      %get3A_413 = tpu.vector_load %arg7[%get3A_411, %get3A_412] {strides = array<i32>} : memref<64x128xf32, #tpu.memory_space<vmem>>, vector<1x16xf32>,
      %get3A_414 = vector.shape_cast %get3A_413 : vector<1x16xf32> to vector<16xf32>
      %add3A_415 = arith.addf %get3A_410, %get3A_414 : vector<16xf32>
      %swap3A_416 = arith.constant 2 : i32
      %swap3A_417 = arith.index_cast %swap3A_416 : i32 to index
      %swap3A_418 = arith.index_cast %scan3A_352 : i32 to index
      %swap3A_419 = arith.constant 48 : index
      %swap3A_420 = tpu.vector_load %arg8[%swap3A_417, %swap3A_418, %swap3A_419] {strides = array<i32>} : memref<4x64x128xf32, #tpu.memory_space<vmem>>, vector<1x1x16xf32>,
      %swap3A_421 = vector.shape_cast %swap3A_420 : vector<1x1x16xf32> to vector<16xf32>
      %swap3A_422 = vector.shape_cast %add3A_415 : vector<16xf32> to vector<1x1x16xf32>
      tpu.vector_store %arg8[%swap3A_417, %swap3A_418, %swap3A_419], %swap3A_422 {strides = array<i32>} : memref<4x64x128xf32, #tpu.memory_space<vmem>>, vector<1x1x16xf32>,
      %get3A_423 = arith.constant 2 : i32
      %get3A_424 = arith.index_cast %get3A_423 : i32 to index
      %get3A_425 = arith.index_cast %scan3A_352 : i32 to index
      %get3A_426 = arith.constant 64 : index
      %get3A_427 = tpu.vector_load %arg8[%get3A_424, %get3A_425, %get3A_426] {strides = array<i32>} : memref<4x64x128xf32, #tpu.memory_space<vmem>>, vector<1x1x16xf32>,
      %get3A_428 = vector.shape_cast %get3A_427 : vector<1x1x16xf32> to vector<16xf32>
      %get3A_429 = arith.index_cast %scan3A_352 : i32 to index
      %get3A_430 = arith.constant 64 : index
      %get3A_431 = tpu.vector_load %arg7[%get3A_429, %get3A_430] {strides = array<i32>} : memref<64x128xf32, #tpu.memory_space<vmem>>, vector<1x16xf32>,
      %get3A_432 = vector.shape_cast %get3A_431 : vector<1x16xf32> to vector<16xf32>
      %add3A_433 = arith.addf %get3A_428, %get3A_432 : vector<16xf32>
      %swap3A_434 = arith.constant 2 : i32
      %swap3A_435 = arith.index_cast %swap3A_434 : i32 to index
      %swap3A_436 = arith.index_cast %scan3A_352 : i32 to index
      %swap3A_437 = arith.constant 64 : index
      %swap3A_438 = tpu.vector_load %arg8[%swap3A_435, %swap3A_436, %swap3A_437] {strides = array<i32>} : memref<4x64x128xf32, #tpu.memory_space<vmem>>, vector<1x1x16xf32>,
      %swap3A_439 = vector.shape_cast %swap3A_438 : vector<1x1x16xf32> to vector<16xf32>
      %swap3A_440 = vector.shape_cast %add3A_433 : vector<16xf32> to vector<1x1x16xf32>
      tpu.vector_store %arg8[%swap3A_435, %swap3A_436, %swap3A_437], %swap3A_440 {strides = array<i32>} : memref<4x64x128xf32, #tpu.memory_space<vmem>>, vector<1x1x16xf32>,
      %get3A_441 = arith.constant 2 : i32
      %get3A_442 = arith.index_cast %get3A_441 : i32 to index
      %get3A_443 = arith.index_cast %scan3A_352 : i32 to index
      %get3A_444 = arith.constant 80 : index
      %get3A_445 = tpu.vector_load %arg8[%get3A_442, %get3A_443, %get3A_444] {strides = array<i32>} : memref<4x64x128xf32, #tpu.memory_space<vmem>>, vector<1x1x16xf32>,
      %get3A_446 = vector.shape_cast %get3A_445 : vector<1x1x16xf32> to vector<16xf32>
      %get3A_447 = arith.index_cast %scan3A_352 : i32 to index
      %get3A_448 = arith.constant 80 : index
      %get3A_449 = tpu.vector_load %arg7[%get3A_447, %get3A_448] {strides = array<i32>} : memref<64x128xf32, #tpu.memory_space<vmem>>, vector<1x16xf32>,
      %get3A_450 = vector.shape_cast %get3A_449 : vector<1x16xf32> to vector<16xf32>
      %add3A_451 = arith.addf %get3A_446, %get3A_450 : vector<16xf32>
      %swap3A_452 = arith.constant 2 : i32
      %swap3A_453 = arith.index_cast %swap3A_452 : i32 to index
      %swap3A_454 = arith.index_cast %scan3A_352 : i32 to index
      %swap3A_455 = arith.constant 80 : index
      %swap3A_456 = tpu.vector_load %arg8[%swap3A_453, %swap3A_454, %swap3A_455] {strides = array<i32>} : memref<4x64x128xf32, #tpu.memory_space<vmem>>, vector<1x1x16xf32>,
      %swap3A_457 = vector.shape_cast %swap3A_456 : vector<1x1x16xf32> to vector<16xf32>
      %swap3A_458 = vector.shape_cast %add3A_451 : vector<16xf32> to vector<1x1x16xf32>
      tpu.vector_store %arg8[%swap3A_453, %swap3A_454, %swap3A_455], %swap3A_458 {strides = array<i32>} : memref<4x64x128xf32, #tpu.memory_space<vmem>>, vector<1x1x16xf32>,
      %get3A_459 = arith.constant 2 : i32
      %get3A_460 = arith.index_cast %get3A_459 : i32 to index
      %get3A_461 = arith.index_cast %scan3A_352 : i32 to index
      %get3A_462 = arith.constant 96 : index
      %get3A_463 = tpu.vector_load %arg8[%get3A_460, %get3A_461, %get3A_462] {strides = array<i32>} : memref<4x64x128xf32, #tpu.memory_space<vmem>>, vector<1x1x16xf32>,
      %get3A_464 = vector.shape_cast %get3A_463 : vector<1x1x16xf32> to vector<16xf32>
      %get3A_465 = arith.index_cast %scan3A_352 : i32 to index
      %get3A_466 = arith.constant 96 : index
      %get3A_467 = tpu.vector_load %arg7[%get3A_465, %get3A_466] {strides = array<i32>} : memref<64x128xf32, #tpu.memory_space<vmem>>, vector<1x16xf32>,
      %get3A_468 = vector.shape_cast %get3A_467 : vector<1x16xf32> to vector<16xf32>
      %add3A_469 = arith.addf %get3A_464, %get3A_468 : vector<16xf32>
      %swap3A_470 = arith.constant 2 : i32
      %swap3A_471 = arith.index_cast %swap3A_470 : i32 to index
      %swap3A_472 = arith.index_cast %scan3A_352 : i32 to index
      %swap3A_473 = arith.constant 96 : index
      %swap3A_474 = tpu.vector_load %arg8[%swap3A_471, %swap3A_472, %swap3A_473] {strides = array<i32>} : memref<4x64x128xf32, #tpu.memory_space<vmem>>, vector<1x1x16xf32>,
      %swap3A_475 = vector.shape_cast %swap3A_474 : vector<1x1x16xf32> to vector<16xf32>
      %swap3A_476 = vector.shape_cast %add3A_469 : vector<16xf32> to vector<1x1x16xf32>
      tpu.vector_store %arg8[%swap3A_471, %swap3A_472, %swap3A_473], %swap3A_476 {strides = array<i32>} : memref<4x64x128xf32, #tpu.memory_space<vmem>>, vector<1x1x16xf32>,
      %get3A_477 = arith.constant 2 : i32
      %get3A_478 = arith.index_cast %get3A_477 : i32 to index
      %get3A_479 = arith.index_cast %scan3A_352 : i32 to index
      %get3A_480 = arith.constant 112 : index
      %get3A_481 = tpu.vector_load %arg8[%get3A_478, %get3A_479, %get3A_480] {strides = array<i32>} : memref<4x64x128xf32, #tpu.memory_space<vmem>>, vector<1x1x16xf32>,
      %get3A_482 = vector.shape_cast %get3A_481 : vector<1x1x16xf32> to vector<16xf32>
      %get3A_483 = arith.index_cast %scan3A_352 : i32 to index
      %get3A_484 = arith.constant 112 : index
      %get3A_485 = tpu.vector_load %arg7[%get3A_483, %get3A_484] {strides = array<i32>} : memref<64x128xf32, #tpu.memory_space<vmem>>, vector<1x16xf32>,
      %get3A_486 = vector.shape_cast %get3A_485 : vector<1x16xf32> to vector<16xf32>
      %add3A_487 = arith.addf %get3A_482, %get3A_486 : vector<16xf32>
      %swap3A_488 = arith.constant 2 : i32
      %swap3A_489 = arith.index_cast %swap3A_488 : i32 to index
      %swap3A_490 = arith.index_cast %scan3A_352 : i32 to index
      %swap3A_491 = arith.constant 112 : index
      %swap3A_492 = tpu.vector_load %arg8[%swap3A_489, %swap3A_490, %swap3A_491] {strides = array<i32>} : memref<4x64x128xf32, #tpu.memory_space<vmem>>, vector<1x1x16xf32>,
      %swap3A_493 = vector.shape_cast %swap3A_492 : vector<1x1x16xf32> to vector<16xf32>
      %swap3A_494 = vector.shape_cast %add3A_487 : vector<16xf32> to vector<1x1x16xf32>
      tpu.vector_store %arg8[%swap3A_489, %swap3A_490, %swap3A_491], %swap3A_494 {strides = array<i32>} : memref<4x64x128xf32, #tpu.memory_space<vmem>>, vector<1x1x16xf32>,
    }
    %scan3A_237 = arith.constant 64 : i32
    %dma_start3A_238 = arith.constant 2 : i32
    %dma_start3A_239 = arith.constant 2 : i32
    %dma_start3A_240 = arith.constant 0 : i32
    %dma_start3A_241 = arith.constant 0 : i32
    %dma_start3A_242 = tpu.memref_slice %arg8[%dma_start3A_238, %dma_start3A_240, %dma_start3A_241] : memref<4x64x128xf32, #tpu.memory_space<vmem>> -> memref<1x64x128xf32, #tpu.memory_space<vmem>>
    %dma_start3A_243 = tpu.memref_squeeze %dma_start3A_242 : memref<1x64x128xf32, #tpu.memory_space<vmem>> -> memref<64x128xf32, #tpu.memory_space<vmem>>
    %dma_start3A_244 = arith.constant 0 : i32
    %dma_start3A_245 = tpu.memref_slice %arg5[%dma_start3A_239, %mul3A_2, %dma_start3A_244] : memref<4x2048x128xf32, #tpu.memory_space<hbm>> -> memref<1x64x128xf32, #tpu.memory_space<hbm>>
    %dma_start3A_246 = tpu.memref_squeeze %dma_start3A_245 : memref<1x64x128xf32, #tpu.memory_space<hbm>> -> memref<64x128xf32, #tpu.memory_space<hbm>>
    %dma_start3A_247 = arith.constant 0 : i32
    %dma_start3A_248 = tpu.memref_slice %arg5[%dma_start3A_239, %mul3A_2, %dma_start3A_247] : memref<4x2048x128xf32, #tpu.memory_space<hbm>> -> memref<1x64x128xf32, #tpu.memory_space<hbm>>
    %dma_start3A_249 = tpu.memref_squeeze %dma_start3A_248 : memref<1x64x128xf32, #tpu.memory_space<hbm>> -> memref<64x128xf32, #tpu.memory_space<hbm>>
    %dma_start3A_250 = arith.constant 0 : i32
    %dma_start3A_251 = arith.constant 0 : i32
    %dma_start3A_252 = tpu.memref_slice %arg8[%dma_start3A_238, %dma_start3A_250, %dma_start3A_251] : memref<4x64x128xf32, #tpu.memory_space<vmem>> -> memref<1x64x128xf32, #tpu.memory_space<vmem>>
    %dma_start3A_253 = tpu.memref_squeeze %dma_start3A_252 : memref<1x64x128xf32, #tpu.memory_space<vmem>> -> memref<64x128xf32, #tpu.memory_space<vmem>>
    tpu.enqueue_dma source(%dma_start3A_253 : memref<64x128xf32, #tpu.memory_space<vmem>>) target(%dma_start3A_249 : memref<64x128xf32, #tpu.memory_space<hbm>>) target_semaphore(%arg15 : memref<!tpu.dma_semaphore, #tpu.memory_space<semaphore_mem>>)
    %dma_wait3A_254 = arith.constant 3 : i32
    %dma_wait3A_255 = arith.constant 3 : i32
    %dma_wait3A_256 = arith.constant 0 : i32
    %dma_wait3A_257 = arith.constant 0 : i32
    %dma_wait3A_258 = tpu.memref_slice %arg8[%dma_wait3A_255, %dma_wait3A_256, %dma_wait3A_257] : memref<4x64x128xf32, #tpu.memory_space<vmem>> -> memref<1x64x128xf32, #tpu.memory_space<vmem>>
    %dma_wait3A_259 = tpu.memref_squeeze %dma_wait3A_258 : memref<1x64x128xf32, #tpu.memory_space<vmem>> -> memref<64x128xf32, #tpu.memory_space<vmem>>
    %dma_wait3A_260 = arith.constant 0 : i32
    %dma_wait3A_261 = tpu.memref_slice %arg6[%dma_wait3A_254, %dma_wait3A_260] : memref<4x64xi32, #tpu.memory_space<vmem>> -> memref<1x64xi32, #tpu.memory_space<vmem>>
    %dma_wait3A_262 = tpu.memref_squeeze %dma_wait3A_261 : memref<1x64xi32, #tpu.memory_space<vmem>> -> memref<64xi32, #tpu.memory_space<vmem>>
    %dma_wait3A_263 = arith.constant 0 : i32
    %dma_wait3A_264 = arith.constant 0 : i32
    %dma_wait3A_265 = tpu.memref_slice %arg3[%dma_wait3A_263, %dma_wait3A_264] : memref<100000x128xf32, #tpu.memory_space<hbm>> -> memref<100000x128xf32, #tpu.memory_space<hbm>>
    tpu.wait_indirect_dma semaphore(%arg14 : memref<!tpu.dma_semaphore, #tpu.memory_space<semaphore_mem>>) src(%dma_wait3A_265 : memref<100000x128xf32, #tpu.memory_space<hbm>>) dst(%dma_wait3A_259 : memref<64x128xf32, #tpu.memory_space<vmem>>)
    %scan3A_266 = arith.constant 0 : i32
    %scan3A_267 = arith.constant 0 : i32
    %scan3A_268 = arith.constant 64 : i32
    %scan3A_269 = arith.addi %scan3A_267, %scan3A_268 : i32
    %scan3A_270 = arith.constant 1 : i32
    scf.for %scan3A_352 = %scan3A_267 to %scan3A_269 step %scan3A_270  : i32 {
      %get3A = arith.constant 3 : i32
      %get3A_353 = arith.index_cast %get3A : i32 to index
      %get3A_354 = arith.index_cast %scan3A_352 : i32 to index
      %get3A_355 = arith.constant 0 : index
      %get3A_356 = tpu.vector_load %arg8[%get3A_353, %get3A_354, %get3A_355] {strides = array<i32>} : memref<4x64x128xf32, #tpu.memory_space<vmem>>, vector<1x1x16xf32>,
      %get3A_357 = vector.shape_cast %get3A_356 : vector<1x1x16xf32> to vector<16xf32>
      %get3A_358 = arith.index_cast %scan3A_352 : i32 to index
      %get3A_359 = arith.constant 0 : index
      %get3A_360 = tpu.vector_load %arg7[%get3A_358, %get3A_359] {strides = array<i32>} : memref<64x128xf32, #tpu.memory_space<vmem>>, vector<1x16xf32>,
      %get3A_361 = vector.shape_cast %get3A_360 : vector<1x16xf32> to vector<16xf32>
      %add3A_362 = arith.addf %get3A_357, %get3A_361 : vector<16xf32>
      %swap3A = arith.constant 3 : i32
      %swap3A_363 = arith.index_cast %swap3A : i32 to index
      %swap3A_364 = arith.index_cast %scan3A_352 : i32 to index
      %swap3A_365 = arith.constant 0 : index
      %swap3A_366 = tpu.vector_load %arg8[%swap3A_363, %swap3A_364, %swap3A_365] {strides = array<i32>} : memref<4x64x128xf32, #tpu.memory_space<vmem>>, vector<1x1x16xf32>,
      %swap3A_367 = vector.shape_cast %swap3A_366 : vector<1x1x16xf32> to vector<16xf32>
      %swap3A_368 = vector.shape_cast %add3A_362 : vector<16xf32> to vector<1x1x16xf32>
      tpu.vector_store %arg8[%swap3A_363, %swap3A_364, %swap3A_365], %swap3A_368 {strides = array<i32>} : memref<4x64x128xf32, #tpu.memory_space<vmem>>, vector<1x1x16xf32>,
      %get3A_369 = arith.constant 3 : i32
      %get3A_370 = arith.index_cast %get3A_369 : i32 to index
      %get3A_371 = arith.index_cast %scan3A_352 : i32 to index
      %get3A_372 = arith.constant 16 : index
      %get3A_373 = tpu.vector_load %arg8[%get3A_370, %get3A_371, %get3A_372] {strides = array<i32>} : memref<4x64x128xf32, #tpu.memory_space<vmem>>, vector<1x1x16xf32>,
      %get3A_374 = vector.shape_cast %get3A_373 : vector<1x1x16xf32> to vector<16xf32>
      %get3A_375 = arith.index_cast %scan3A_352 : i32 to index
      %get3A_376 = arith.constant 16 : index
      %get3A_377 = tpu.vector_load %arg7[%get3A_375, %get3A_376] {strides = array<i32>} : memref<64x128xf32, #tpu.memory_space<vmem>>, vector<1x16xf32>,
      %get3A_378 = vector.shape_cast %get3A_377 : vector<1x16xf32> to vector<16xf32>
      %add3A_379 = arith.addf %get3A_374, %get3A_378 : vector<16xf32>
      %swap3A_380 = arith.constant 3 : i32
      %swap3A_381 = arith.index_cast %swap3A_380 : i32 to index
      %swap3A_382 = arith.index_cast %scan3A_352 : i32 to index
      %swap3A_383 = arith.constant 16 : index
      %swap3A_384 = tpu.vector_load %arg8[%swap3A_381, %swap3A_382, %swap3A_383] {strides = array<i32>} : memref<4x64x128xf32, #tpu.memory_space<vmem>>, vector<1x1x16xf32>,
      %swap3A_385 = vector.shape_cast %swap3A_384 : vector<1x1x16xf32> to vector<16xf32>
      %swap3A_386 = vector.shape_cast %add3A_379 : vector<16xf32> to vector<1x1x16xf32>
      tpu.vector_store %arg8[%swap3A_381, %swap3A_382, %swap3A_383], %swap3A_386 {strides = array<i32>} : memref<4x64x128xf32, #tpu.memory_space<vmem>>, vector<1x1x16xf32>,
      %get3A_387 = arith.constant 3 : i32
      %get3A_388 = arith.index_cast %get3A_387 : i32 to index
      %get3A_389 = arith.index_cast %scan3A_352 : i32 to index
      %get3A_390 = arith.constant 32 : index
      %get3A_391 = tpu.vector_load %arg8[%get3A_388, %get3A_389, %get3A_390] {strides = array<i32>} : memref<4x64x128xf32, #tpu.memory_space<vmem>>, vector<1x1x16xf32>,
      %get3A_392 = vector.shape_cast %get3A_391 : vector<1x1x16xf32> to vector<16xf32>
      %get3A_393 = arith.index_cast %scan3A_352 : i32 to index
      %get3A_394 = arith.constant 32 : index
      %get3A_395 = tpu.vector_load %arg7[%get3A_393, %get3A_394] {strides = array<i32>} : memref<64x128xf32, #tpu.memory_space<vmem>>, vector<1x16xf32>,
      %get3A_396 = vector.shape_cast %get3A_395 : vector<1x16xf32> to vector<16xf32>
      %add3A_397 = arith.addf %get3A_392, %get3A_396 : vector<16xf32>
      %swap3A_398 = arith.constant 3 : i32
      %swap3A_399 = arith.index_cast %swap3A_398 : i32 to index
      %swap3A_400 = arith.index_cast %scan3A_352 : i32 to index
      %swap3A_401 = arith.constant 32 : index
      %swap3A_402 = tpu.vector_load %arg8[%swap3A_399, %swap3A_400, %swap3A_401] {strides = array<i32>} : memref<4x64x128xf32, #tpu.memory_space<vmem>>, vector<1x1x16xf32>,
      %swap3A_403 = vector.shape_cast %swap3A_402 : vector<1x1x16xf32> to vector<16xf32>
      %swap3A_404 = vector.shape_cast %add3A_397 : vector<16xf32> to vector<1x1x16xf32>
      tpu.vector_store %arg8[%swap3A_399, %swap3A_400, %swap3A_401], %swap3A_404 {strides = array<i32>} : memref<4x64x128xf32, #tpu.memory_space<vmem>>, vector<1x1x16xf32>,
      %get3A_405 = arith.constant 3 : i32
      %get3A_406 = arith.index_cast %get3A_405 : i32 to index
      %get3A_407 = arith.index_cast %scan3A_352 : i32 to index
      %get3A_408 = arith.constant 48 : index
      %get3A_409 = tpu.vector_load %arg8[%get3A_406, %get3A_407, %get3A_408] {strides = array<i32>} : memref<4x64x128xf32, #tpu.memory_space<vmem>>, vector<1x1x16xf32>,
      %get3A_410 = vector.shape_cast %get3A_409 : vector<1x1x16xf32> to vector<16xf32>
      %get3A_411 = arith.index_cast %scan3A_352 : i32 to index
      %get3A_412 = arith.constant 48 : index
      %get3A_413 = tpu.vector_load %arg7[%get3A_411, %get3A_412] {strides = array<i32>} : memref<64x128xf32, #tpu.memory_space<vmem>>, vector<1x16xf32>,
      %get3A_414 = vector.shape_cast %get3A_413 : vector<1x16xf32> to vector<16xf32>
      %add3A_415 = arith.addf %get3A_410, %get3A_414 : vector<16xf32>
      %swap3A_416 = arith.constant 3 : i32
      %swap3A_417 = arith.index_cast %swap3A_416 : i32 to index
      %swap3A_418 = arith.index_cast %scan3A_352 : i32 to index
      %swap3A_419 = arith.constant 48 : index
      %swap3A_420 = tpu.vector_load %arg8[%swap3A_417, %swap3A_418, %swap3A_419] {strides = array<i32>} : memref<4x64x128xf32, #tpu.memory_space<vmem>>, vector<1x1x16xf32>,
      %swap3A_421 = vector.shape_cast %swap3A_420 : vector<1x1x16xf32> to vector<16xf32>
      %swap3A_422 = vector.shape_cast %add3A_415 : vector<16xf32> to vector<1x1x16xf32>
      tpu.vector_store %arg8[%swap3A_417, %swap3A_418, %swap3A_419], %swap3A_422 {strides = array<i32>} : memref<4x64x128xf32, #tpu.memory_space<vmem>>, vector<1x1x16xf32>,
      %get3A_423 = arith.constant 3 : i32
      %get3A_424 = arith.index_cast %get3A_423 : i32 to index
      %get3A_425 = arith.index_cast %scan3A_352 : i32 to index
      %get3A_426 = arith.constant 64 : index
      %get3A_427 = tpu.vector_load %arg8[%get3A_424, %get3A_425, %get3A_426] {strides = array<i32>} : memref<4x64x128xf32, #tpu.memory_space<vmem>>, vector<1x1x16xf32>,
      %get3A_428 = vector.shape_cast %get3A_427 : vector<1x1x16xf32> to vector<16xf32>
      %get3A_429 = arith.index_cast %scan3A_352 : i32 to index
      %get3A_430 = arith.constant 64 : index
      %get3A_431 = tpu.vector_load %arg7[%get3A_429, %get3A_430] {strides = array<i32>} : memref<64x128xf32, #tpu.memory_space<vmem>>, vector<1x16xf32>,
      %get3A_432 = vector.shape_cast %get3A_431 : vector<1x16xf32> to vector<16xf32>
      %add3A_433 = arith.addf %get3A_428, %get3A_432 : vector<16xf32>
      %swap3A_434 = arith.constant 3 : i32
      %swap3A_435 = arith.index_cast %swap3A_434 : i32 to index
      %swap3A_436 = arith.index_cast %scan3A_352 : i32 to index
      %swap3A_437 = arith.constant 64 : index
      %swap3A_438 = tpu.vector_load %arg8[%swap3A_435, %swap3A_436, %swap3A_437] {strides = array<i32>} : memref<4x64x128xf32, #tpu.memory_space<vmem>>, vector<1x1x16xf32>,
      %swap3A_439 = vector.shape_cast %swap3A_438 : vector<1x1x16xf32> to vector<16xf32>
      %swap3A_440 = vector.shape_cast %add3A_433 : vector<16xf32> to vector<1x1x16xf32>
      tpu.vector_store %arg8[%swap3A_435, %swap3A_436, %swap3A_437], %swap3A_440 {strides = array<i32>} : memref<4x64x128xf32, #tpu.memory_space<vmem>>, vector<1x1x16xf32>,
      %get3A_441 = arith.constant 3 : i32
      %get3A_442 = arith.index_cast %get3A_441 : i32 to index
      %get3A_443 = arith.index_cast %scan3A_352 : i32 to index
      %get3A_444 = arith.constant 80 : index
      %get3A_445 = tpu.vector_load %arg8[%get3A_442, %get3A_443, %get3A_444] {strides = array<i32>} : memref<4x64x128xf32, #tpu.memory_space<vmem>>, vector<1x1x16xf32>,
      %get3A_446 = vector.shape_cast %get3A_445 : vector<1x1x16xf32> to vector<16xf32>
      %get3A_447 = arith.index_cast %scan3A_352 : i32 to index
      %get3A_448 = arith.constant 80 : index
      %get3A_449 = tpu.vector_load %arg7[%get3A_447, %get3A_448] {strides = array<i32>} : memref<64x128xf32, #tpu.memory_space<vmem>>, vector<1x16xf32>,
      %get3A_450 = vector.shape_cast %get3A_449 : vector<1x16xf32> to vector<16xf32>
      %add3A_451 = arith.addf %get3A_446, %get3A_450 : vector<16xf32>
      %swap3A_452 = arith.constant 3 : i32
      %swap3A_453 = arith.index_cast %swap3A_452 : i32 to index
      %swap3A_454 = arith.index_cast %scan3A_352 : i32 to index
      %swap3A_455 = arith.constant 80 : index
      %swap3A_456 = tpu.vector_load %arg8[%swap3A_453, %swap3A_454, %swap3A_455] {strides = array<i32>} : memref<4x64x128xf32, #tpu.memory_space<vmem>>, vector<1x1x16xf32>,
      %swap3A_457 = vector.shape_cast %swap3A_456 : vector<1x1x16xf32> to vector<16xf32>
      %swap3A_458 = vector.shape_cast %add3A_451 : vector<16xf32> to vector<1x1x16xf32>
      tpu.vector_store %arg8[%swap3A_453, %swap3A_454, %swap3A_455], %swap3A_458 {strides = array<i32>} : memref<4x64x128xf32, #tpu.memory_space<vmem>>, vector<1x1x16xf32>,
      %get3A_459 = arith.constant 3 : i32
      %get3A_460 = arith.index_cast %get3A_459 : i32 to index
      %get3A_461 = arith.index_cast %scan3A_352 : i32 to index
      %get3A_462 = arith.constant 96 : index
      %get3A_463 = tpu.vector_load %arg8[%get3A_460, %get3A_461, %get3A_462] {strides = array<i32>} : memref<4x64x128xf32, #tpu.memory_space<vmem>>, vector<1x1x16xf32>,
      %get3A_464 = vector.shape_cast %get3A_463 : vector<1x1x16xf32> to vector<16xf32>
      %get3A_465 = arith.index_cast %scan3A_352 : i32 to index
      %get3A_466 = arith.constant 96 : index
      %get3A_467 = tpu.vector_load %arg7[%get3A_465, %get3A_466] {strides = array<i32>} : memref<64x128xf32, #tpu.memory_space<vmem>>, vector<1x16xf32>,
      %get3A_468 = vector.shape_cast %get3A_467 : vector<1x16xf32> to vector<16xf32>
      %add3A_469 = arith.addf %get3A_464, %get3A_468 : vector<16xf32>
      %swap3A_470 = arith.constant 3 : i32
      %swap3A_471 = arith.index_cast %swap3A_470 : i32 to index
      %swap3A_472 = arith.index_cast %scan3A_352 : i32 to index
      %swap3A_473 = arith.constant 96 : index
      %swap3A_474 = tpu.vector_load %arg8[%swap3A_471, %swap3A_472, %swap3A_473] {strides = array<i32>} : memref<4x64x128xf32, #tpu.memory_space<vmem>>, vector<1x1x16xf32>,
      %swap3A_475 = vector.shape_cast %swap3A_474 : vector<1x1x16xf32> to vector<16xf32>
      %swap3A_476 = vector.shape_cast %add3A_469 : vector<16xf32> to vector<1x1x16xf32>
      tpu.vector_store %arg8[%swap3A_471, %swap3A_472, %swap3A_473], %swap3A_476 {strides = array<i32>} : memref<4x64x128xf32, #tpu.memory_space<vmem>>, vector<1x1x16xf32>,
      %get3A_477 = arith.constant 3 : i32
      %get3A_478 = arith.index_cast %get3A_477 : i32 to index
      %get3A_479 = arith.index_cast %scan3A_352 : i32 to index
      %get3A_480 = arith.constant 112 : index
      %get3A_481 = tpu.vector_load %arg8[%get3A_478, %get3A_479, %get3A_480] {strides = array<i32>} : memref<4x64x128xf32, #tpu.memory_space<vmem>>, vector<1x1x16xf32>,
      %get3A_482 = vector.shape_cast %get3A_481 : vector<1x1x16xf32> to vector<16xf32>
      %get3A_483 = arith.index_cast %scan3A_352 : i32 to index
      %get3A_484 = arith.constant 112 : index
      %get3A_485 = tpu.vector_load %arg7[%get3A_483, %get3A_484] {strides = array<i32>} : memref<64x128xf32, #tpu.memory_space<vmem>>, vector<1x16xf32>,
      %get3A_486 = vector.shape_cast %get3A_485 : vector<1x16xf32> to vector<16xf32>
      %add3A_487 = arith.addf %get3A_482, %get3A_486 : vector<16xf32>
      %swap3A_488 = arith.constant 3 : i32
      %swap3A_489 = arith.index_cast %swap3A_488 : i32 to index
      %swap3A_490 = arith.index_cast %scan3A_352 : i32 to index
      %swap3A_491 = arith.constant 112 : index
      %swap3A_492 = tpu.vector_load %arg8[%swap3A_489, %swap3A_490, %swap3A_491] {strides = array<i32>} : memref<4x64x128xf32, #tpu.memory_space<vmem>>, vector<1x1x16xf32>,
      %swap3A_493 = vector.shape_cast %swap3A_492 : vector<1x1x16xf32> to vector<16xf32>
      %swap3A_494 = vector.shape_cast %add3A_487 : vector<16xf32> to vector<1x1x16xf32>
      tpu.vector_store %arg8[%swap3A_489, %swap3A_490, %swap3A_491], %swap3A_494 {strides = array<i32>} : memref<4x64x128xf32, #tpu.memory_space<vmem>>, vector<1x1x16xf32>,
    }
    %scan3A_271 = arith.constant 64 : i32
    %dma_start3A_272 = arith.constant 3 : i32
    %dma_start3A_273 = arith.constant 3 : i32
    %dma_start3A_274 = arith.constant 0 : i32
    %dma_start3A_275 = arith.constant 0 : i32
    %dma_start3A_276 = tpu.memref_slice %arg8[%dma_start3A_272, %dma_start3A_274, %dma_start3A_275] : memref<4x64x128xf32, #tpu.memory_space<vmem>> -> memref<1x64x128xf32, #tpu.memory_space<vmem>>
    %dma_start3A_277 = tpu.memref_squeeze %dma_start3A_276 : memref<1x64x128xf32, #tpu.memory_space<vmem>> -> memref<64x128xf32, #tpu.memory_space<vmem>>
    %dma_start3A_278 = arith.constant 0 : i32
    %dma_start3A_279 = tpu.memref_slice %arg5[%dma_start3A_273, %mul3A_2, %dma_start3A_278] : memref<4x2048x128xf32, #tpu.memory_space<hbm>> -> memref<1x64x128xf32, #tpu.memory_space<hbm>>
    %dma_start3A_280 = tpu.memref_squeeze %dma_start3A_279 : memref<1x64x128xf32, #tpu.memory_space<hbm>> -> memref<64x128xf32, #tpu.memory_space<hbm>>
    %dma_start3A_281 = arith.constant 0 : i32
    %dma_start3A_282 = tpu.memref_slice %arg5[%dma_start3A_273, %mul3A_2, %dma_start3A_281] : memref<4x2048x128xf32, #tpu.memory_space<hbm>> -> memref<1x64x128xf32, #tpu.memory_space<hbm>>
    %dma_start3A_283 = tpu.memref_squeeze %dma_start3A_282 : memref<1x64x128xf32, #tpu.memory_space<hbm>> -> memref<64x128xf32, #tpu.memory_space<hbm>>
    %dma_start3A_284 = arith.constant 0 : i32
    %dma_start3A_285 = arith.constant 0 : i32
    %dma_start3A_286 = tpu.memref_slice %arg8[%dma_start3A_272, %dma_start3A_284, %dma_start3A_285] : memref<4x64x128xf32, #tpu.memory_space<vmem>> -> memref<1x64x128xf32, #tpu.memory_space<vmem>>
    %dma_start3A_287 = tpu.memref_squeeze %dma_start3A_286 : memref<1x64x128xf32, #tpu.memory_space<vmem>> -> memref<64x128xf32, #tpu.memory_space<vmem>>
    tpu.enqueue_dma source(%dma_start3A_287 : memref<64x128xf32, #tpu.memory_space<vmem>>) target(%dma_start3A_283 : memref<64x128xf32, #tpu.memory_space<hbm>>) target_semaphore(%arg15 : memref<!tpu.dma_semaphore, #tpu.memory_space<semaphore_mem>>)
    %dma_wait3A_288 = arith.constant 0 : i32
    %dma_wait3A_289 = arith.constant 0 : i32
    %dma_wait3A_290 = arith.constant 0 : i32
    %dma_wait3A_291 = arith.constant 0 : i32
    %dma_wait3A_292 = tpu.memref_slice %arg8[%dma_wait3A_288, %dma_wait3A_290, %dma_wait3A_291] : memref<4x64x128xf32, #tpu.memory_space<vmem>> -> memref<1x64x128xf32, #tpu.memory_space<vmem>>
    %dma_wait3A_293 = tpu.memref_squeeze %dma_wait3A_292 : memref<1x64x128xf32, #tpu.memory_space<vmem>> -> memref<64x128xf32, #tpu.memory_space<vmem>>
    %dma_wait3A_294 = arith.constant 0 : i32
    %dma_wait3A_295 = tpu.memref_slice %arg5[%dma_wait3A_289, %mul3A_2, %dma_wait3A_294] : memref<4x2048x128xf32, #tpu.memory_space<hbm>> -> memref<1x64x128xf32, #tpu.memory_space<hbm>>
    %dma_wait3A_296 = tpu.memref_squeeze %dma_wait3A_295 : memref<1x64x128xf32, #tpu.memory_space<hbm>> -> memref<64x128xf32, #tpu.memory_space<hbm>>
    %dma_wait3A_297 = arith.constant 0 : i32
    %dma_wait3A_298 = tpu.memref_slice %arg5[%dma_wait3A_289, %mul3A_2, %dma_wait3A_297] : memref<4x2048x128xf32, #tpu.memory_space<hbm>> -> memref<1x64x128xf32, #tpu.memory_space<hbm>>
    %dma_wait3A_299 = tpu.memref_squeeze %dma_wait3A_298 : memref<1x64x128xf32, #tpu.memory_space<hbm>> -> memref<64x128xf32, #tpu.memory_space<hbm>>
    %dma_wait3A_300 = arith.constant 0 : i32
    %dma_wait3A_301 = arith.constant 0 : i32
    %dma_wait3A_302 = tpu.memref_slice %arg8[%dma_wait3A_288, %dma_wait3A_300, %dma_wait3A_301] : memref<4x64x128xf32, #tpu.memory_space<vmem>> -> memref<1x64x128xf32, #tpu.memory_space<vmem>>
    %dma_wait3A_303 = tpu.memref_squeeze %dma_wait3A_302 : memref<1x64x128xf32, #tpu.memory_space<vmem>> -> memref<64x128xf32, #tpu.memory_space<vmem>>
    tpu.wait_dma2 semaphore(%arg15 : memref<!tpu.dma_semaphore, #tpu.memory_space<semaphore_mem>>) src(%dma_wait3A_303 : memref<64x128xf32, #tpu.memory_space<vmem>>) dst(%dma_wait3A_299 : memref<64x128xf32, #tpu.memory_space<hbm>>)
    %dma_wait3A_304 = arith.constant 1 : i32
    %dma_wait3A_305 = arith.constant 1 : i32
    %dma_wait3A_306 = arith.constant 0 : i32
    %dma_wait3A_307 = arith.constant 0 : i32
    %dma_wait3A_308 = tpu.memref_slice %arg8[%dma_wait3A_304, %dma_wait3A_306, %dma_wait3A_307] : memref<4x64x128xf32, #tpu.memory_space<vmem>> -> memref<1x64x128xf32, #tpu.memory_space<vmem>>
    %dma_wait3A_309 = tpu.memref_squeeze %dma_wait3A_308 : memref<1x64x128xf32, #tpu.memory_space<vmem>> -> memref<64x128xf32, #tpu.memory_space<vmem>>
    %dma_wait3A_310 = arith.constant 0 : i32
    %dma_wait3A_311 = tpu.memref_slice %arg5[%dma_wait3A_305, %mul3A_2, %dma_wait3A_310] : memref<4x2048x128xf32, #tpu.memory_space<hbm>> -> memref<1x64x128xf32, #tpu.memory_space<hbm>>
    %dma_wait3A_312 = tpu.memref_squeeze %dma_wait3A_311 : memref<1x64x128xf32, #tpu.memory_space<hbm>> -> memref<64x128xf32, #tpu.memory_space<hbm>>
    %dma_wait3A_313 = arith.constant 0 : i32
    %dma_wait3A_314 = tpu.memref_slice %arg5[%dma_wait3A_305, %mul3A_2, %dma_wait3A_313] : memref<4x2048x128xf32, #tpu.memory_space<hbm>> -> memref<1x64x128xf32, #tpu.memory_space<hbm>>
    %dma_wait3A_315 = tpu.memref_squeeze %dma_wait3A_314 : memref<1x64x128xf32, #tpu.memory_space<hbm>> -> memref<64x128xf32, #tpu.memory_space<hbm>>
    %dma_wait3A_316 = arith.constant 0 : i32
    %dma_wait3A_317 = arith.constant 0 : i32
    %dma_wait3A_318 = tpu.memref_slice %arg8[%dma_wait3A_304, %dma_wait3A_316, %dma_wait3A_317] : memref<4x64x128xf32, #tpu.memory_space<vmem>> -> memref<1x64x128xf32, #tpu.memory_space<vmem>>
    %dma_wait3A_319 = tpu.memref_squeeze %dma_wait3A_318 : memref<1x64x128xf32, #tpu.memory_space<vmem>> -> memref<64x128xf32, #tpu.memory_space<vmem>>
    tpu.wait_dma2 semaphore(%arg15 : memref<!tpu.dma_semaphore, #tpu.memory_space<semaphore_mem>>) src(%dma_wait3A_319 : memref<64x128xf32, #tpu.memory_space<vmem>>) dst(%dma_wait3A_315 : memref<64x128xf32, #tpu.memory_space<hbm>>)
    %dma_wait3A_320 = arith.constant 2 : i32
    %dma_wait3A_321 = arith.constant 2 : i32
    %dma_wait3A_322 = arith.constant 0 : i32
    %dma_wait3A_323 = arith.constant 0 : i32
    %dma_wait3A_324 = tpu.memref_slice %arg8[%dma_wait3A_320, %dma_wait3A_322, %dma_wait3A_323] : memref<4x64x128xf32, #tpu.memory_space<vmem>> -> memref<1x64x128xf32, #tpu.memory_space<vmem>>
    %dma_wait3A_325 = tpu.memref_squeeze %dma_wait3A_324 : memref<1x64x128xf32, #tpu.memory_space<vmem>> -> memref<64x128xf32, #tpu.memory_space<vmem>>
    %dma_wait3A_326 = arith.constant 0 : i32
    %dma_wait3A_327 = tpu.memref_slice %arg5[%dma_wait3A_321, %mul3A_2, %dma_wait3A_326] : memref<4x2048x128xf32, #tpu.memory_space<hbm>> -> memref<1x64x128xf32, #tpu.memory_space<hbm>>
    %dma_wait3A_328 = tpu.memref_squeeze %dma_wait3A_327 : memref<1x64x128xf32, #tpu.memory_space<hbm>> -> memref<64x128xf32, #tpu.memory_space<hbm>>
    %dma_wait3A_329 = arith.constant 0 : i32
    %dma_wait3A_330 = tpu.memref_slice %arg5[%dma_wait3A_321, %mul3A_2, %dma_wait3A_329] : memref<4x2048x128xf32, #tpu.memory_space<hbm>> -> memref<1x64x128xf32, #tpu.memory_space<hbm>>
    %dma_wait3A_331 = tpu.memref_squeeze %dma_wait3A_330 : memref<1x64x128xf32, #tpu.memory_space<hbm>> -> memref<64x128xf32, #tpu.memory_space<hbm>>
    %dma_wait3A_332 = arith.constant 0 : i32
    %dma_wait3A_333 = arith.constant 0 : i32
    %dma_wait3A_334 = tpu.memref_slice %arg8[%dma_wait3A_320, %dma_wait3A_332, %dma_wait3A_333] : memref<4x64x128xf32, #tpu.memory_space<vmem>> -> memref<1x64x128xf32, #tpu.memory_space<vmem>>
    %dma_wait3A_335 = tpu.memref_squeeze %dma_wait3A_334 : memref<1x64x128xf32, #tpu.memory_space<vmem>> -> memref<64x128xf32, #tpu.memory_space<vmem>>
    tpu.wait_dma2 semaphore(%arg15 : memref<!tpu.dma_semaphore, #tpu.memory_space<semaphore_mem>>) src(%dma_wait3A_335 : memref<64x128xf32, #tpu.memory_space<vmem>>) dst(%dma_wait3A_331 : memref<64x128xf32, #tpu.memory_space<hbm>>)
    %dma_wait3A_336 = arith.constant 3 : i32
    %dma_wait3A_337 = arith.constant 3 : i32
    %dma_wait3A_338 = arith.constant 0 : i32
    %dma_wait3A_339 = arith.constant 0 : i32
    %dma_wait3A_340 = tpu.memref_slice %arg8[%dma_wait3A_336, %dma_wait3A_338, %dma_wait3A_339] : memref<4x64x128xf32, #tpu.memory_space<vmem>> -> memref<1x64x128xf32, #tpu.memory_space<vmem>>
    %dma_wait3A_341 = tpu.memref_squeeze %dma_wait3A_340 : memref<1x64x128xf32, #tpu.memory_space<vmem>> -> memref<64x128xf32, #tpu.memory_space<vmem>>
    %dma_wait3A_342 = arith.constant 0 : i32
    %dma_wait3A_343 = tpu.memref_slice %arg5[%dma_wait3A_337, %mul3A_2, %dma_wait3A_342] : memref<4x2048x128xf32, #tpu.memory_space<hbm>> -> memref<1x64x128xf32, #tpu.memory_space<hbm>>
    %dma_wait3A_344 = tpu.memref_squeeze %dma_wait3A_343 : memref<1x64x128xf32, #tpu.memory_space<hbm>> -> memref<64x128xf32, #tpu.memory_space<hbm>>
    %dma_wait3A_345 = arith.constant 0 : i32
    %dma_wait3A_346 = tpu.memref_slice %arg5[%dma_wait3A_337, %mul3A_2, %dma_wait3A_345] : memref<4x2048x128xf32, #tpu.memory_space<hbm>> -> memref<1x64x128xf32, #tpu.memory_space<hbm>>
    %dma_wait3A_347 = tpu.memref_squeeze %dma_wait3A_346 : memref<1x64x128xf32, #tpu.memory_space<hbm>> -> memref<64x128xf32, #tpu.memory_space<hbm>>
    %dma_wait3A_348 = arith.constant 0 : i32
    %dma_wait3A_349 = arith.constant 0 : i32
    %dma_wait3A_350 = tpu.memref_slice %arg8[%dma_wait3A_336, %dma_wait3A_348, %dma_wait3A_349] : memref<4x64x128xf32, #tpu.memory_space<vmem>> -> memref<1x64x128xf32, #tpu.memory_space<vmem>>
    %dma_wait3A_351 = tpu.memref_squeeze %dma_wait3A_350 : memref<1x64x128xf32, #tpu.memory_space<vmem>> -> memref<64x128xf32, #tpu.memory_space<vmem>>
    tpu.wait_dma2 semaphore(%arg15 : memref<!tpu.dma_semaphore, #tpu.memory_space<semaphore_mem>>) src(%dma_wait3A_351 : memref<64x128xf32, #tpu.memory_space<vmem>>) dst(%dma_wait3A_347 : memref<64x128xf32, #tpu.memory_space<hbm>>)
    return
  }
}

</mosaic_0001>

<sc_bundles>
// kernel: kernel.3.cloned.1.call-start
scs
__scs_entry_jumppad:
0x0: {  	(pc) =	sbr.rel $0x88, $3  }
0x1: {  	(tag) =	ssettag $0x0;
	lr =	simm.s32 $0x1  }
0x2: {  	[smem:$0x3F9E] =	sst lr;
	_ =	strace $0xD0000000  }
0x3: {  	_ = 	snop  }
0x4: {  	_ = 	snop  }
0x5: {  	_ = 	snop  }
0x6: {  	_ = 	snop  }
0x7: {  	_ = 	snop  }
__scs_overlays_trampoline_lowered:
0x8: {  	[smem:$0x3FAD] =	sst s0  }
0x9: {  	[smem:$0x3FAE] =	sst s1  }
0xa: {  	[smem:$0x3FAF] =	sst s2  }
0xb: {  	[smem:$0x3FB0] =	sst s3  }
0xc: {  	[smem:$0x3FB1] =	sst s4  }
0xd: {  	[smem:$0x3FB2] =	sst s5  }
0xe: {  	[smem:$0x3FB3] =	sst s6  }
0xf: {  	[smem:$0x3FB4] =	sst s7  }
0x10: {  	[smem:$0x3FB5] =	sst s8  }
0x11: {  	[smem:$0x3FB6] =	sst s9;
	s0 =	simm.s32 @!p0 $0x0  }
0x12: {  	s1 =	sld [smem:$0x3F9C];
	s0 =	simm.s32 @p0 $0x1  }
0x13: {  	[smem:$0x3FB7] =	sst s0;
	s0 =	simm.s32 @!p1 $0x0  }
0x14: {  	s2 =	sld [smem:$0x3F9B];
	s0 =	simm.s32 @p1 $0x1  }
0x15: {  	[smem:$0x3FB8] =	sst s0;
	s0 =	simm.s32 @!p2 $0x0  }
0x16: {  	s3 =	sld [smem:$0x3FDB];
	s0 =	simm.s32 @p2 $0x1  }
0x17: {  	s4 =	simm.s32 $0x1BF5;
	[smem:$0x3FBA] =	sst s0  }
0x18: {  	s0 =	sld [smem:$0x3F9D];
	_ =	swait.ge [sflag:s4], $0x0  }
0x19: {  	s7 =	sld [smem:$0x3F9E]  }
0x1a: {  	s8 =	sadd.s32 $0xFFFFE003, lr  }
0x1b: {  	s9 =	sadd.s32 $0xFFFFFEF7, lr;
	s5 =	simm.s32 $0xFFFFFFFF;
	p2 =	slt.u32 s8, $0xFFFFF086  }
0x1c: {  	p1 =	slt.u32 s9, $0xF7A;
	s5 =	simm.s32 @!p2 $0x0  }
0x1d: {  	s5 =	simm.s32 @p1 $0x1;
	p0 =	seq.s32 s7, s2  }
0x1e: {  	s7 =	smul.u32 @!p0 $0xF7A, s2;
	p2 =	seq.s32 @!p0 s5, $0x0  }
0x1f: {  	s9 =	smul.u32 $0xF7A, s1;
	s8 =	simm.s32 @!p0 $0x1BF5;
	p2 =	por !p2, p0  }
0x20: {  	[sflag:s8] =	ssyncset.s32 @!p0 $0xFFFFF086;
	s6 =	sadd.s32 @!p0 s3, s7;
	s7 =	simm.s32 @!p0 $0x108  }
0x21: {  	s3 =	sadd.s32 s3, s9;
	s6 =	sadd.s32 @!p0 $0x88, s6;
	s7 =	simm.s32 @p2 $0x1082  }
0x22: {  	[simem:s7], [sflag:s8] =	dma.local @!p0 [hbm:s6], $0xF7A  }
0x23: {  	s9 =	sor.u32 $0xD0000000, s2;
	s6 =	simm.s32 $0x108;
	_ =	swait.ge @!p0 [sflag:s8], $0x0  }
0x24: {  	s3 =	sadd.s32 $0x88, s3;
	s6 =	simm.s32 @!p1 $0x1082;
	[sflag:s4] =	ssyncset.s32 $0xFFFFF086  }
0x25: {  	[simem:s6], [sflag:s4] =	dma.local [hbm:s3], $0xF7A  }
0x26: {  	[smem:$0x3F9E] =	sst s1;
	(tag) =	ssettag s2;
	_ =	strace s9  }
0x27: {  	s1 =	sld [smem:$0x3FAE]  }
0x28: {  	s2 =	sld [smem:$0x3FAF]  }
0x29: {  	s4 =	sld [smem:$0x3FB1]  }
0x2a: {  	p0 =	seq.s32 s5, $0x0;
	s5 =	sld [smem:$0x3FB2]  }
0x2b: {  	s6 =	sld [smem:$0x3FB3]  }
0x2c: {  	s7 =	sld [smem:$0x3FB4]  }
0x2d: {  	s3 =	simm.s32 $0x108;
	s8 =	sld [smem:$0x3FB5]  }
0x2e: {  	s3 =	simm.s32 @!p0 $0x1082;
	s9 =	sld [smem:$0x3FB6]  }
0x2f: {  	lr =	sadd.s32 s0, s3;
	s0 =	sld [smem:$0x3FAD]  }
0x30: {  	s3 =	sld [smem:$0x3FB0]  }
0x31: {  	[smem:$0x3FB9] =	sst s10  }
0x32: {  	s10 =	sld [smem:$0x3FB7];
	_ =	sdelay $0x3  }
0x33: {  	p0 =	seq.s32 s10, $0x1;
	s10 =	sld [smem:$0x3FB9];
	_ =	sdelay $0x3  }
0x34: {  	[smem:$0x3FB9] =	sst s10  }
0x35: {  	s10 =	sld [smem:$0x3FB8];
	_ =	sdelay $0x3  }
0x36: {  	p1 =	seq.s32 s10, $0x1;
	s10 =	sld [smem:$0x3FB9];
	_ =	sdelay $0x3  }
0x37: {  	[smem:$0x3FB9] =	sst s10  }
0x38: {  	s10 =	sld [smem:$0x3FBA]  }
0x39: {  	_ = 	snop;
	(pc) =	sbr.ind lr, $3  }
0x3a: {  	_ = 	snop  }
0x3b: {  	_ = 	snop  }
0x3c: {  	p2 =	seq.s32 s10, $0x1;
	s10 =	sld [smem:$0x3FB9]  }
0x3d: {  	_ =	shalt  }
0x3e: {  	_ =	shalt  }
0x3f: {  	_ =	shalt  }
0x40: {  	_ =	shalt  }
0x41: {  	_ =	shalt  }
0x42: {  	_ =	shalt  }
0x43: {  	_ =	shalt  }
0x44: {  	_ =	shalt  }
0x45: {  	_ =	shalt  }
0x46: {  	_ =	shalt  }
0x47: {  	_ =	shalt  }
0x48: {  	_ =	shalt  }
0x49: {  	_ =	shalt  }
0x4a: {  	_ =	shalt  }
0x4b: {  	_ =	shalt  }
0x4c: {  	_ =	shalt  }
0x4d: {  	_ =	shalt  }
0x4e: {  	_ =	shalt  }
0x4f: {  	_ =	shalt  }
0x50: {  	_ =	shalt  }
0x51: {  	_ =	shalt  }
0x52: {  	_ =	shalt  }
0x53: {  	_ =	shalt  }
0x54: {  	_ =	shalt  }
0x55: {  	_ =	shalt  }
0x56: {  	_ =	shalt  }
0x57: {  	_ =	shalt  }
0x58: {  	_ =	shalt  }
0x59: {  	_ =	shalt  }
0x5a: {  	_ =	shalt  }
0x5b: {  	_ =	shalt  }
0x5c: {  	_ =	shalt  }
0x5d: {  	_ =	shalt  }
0x5e: {  	_ =	shalt  }
0x5f: {  	_ =	shalt  }
0x60: {  	_ =	shalt  }
0x61: {  	_ =	shalt  }
0x62: {  	_ =	shalt  }
0x63: {  	_ =	shalt  }
0x64: {  	_ =	shalt  }
0x65: {  	_ =	shalt  }
0x66: {  	_ =	shalt  }
0x67: {  	_ =	shalt  }
0x68: {  	_ =	shalt  }
0x69: {  	_ =	shalt  }
0x6a: {  	_ =	shalt  }
0x6b: {  	_ =	shalt  }
0x6c: {  	_ =	shalt  }
0x6d: {  	_ =	shalt  }
0x6e: {  	_ =	shalt  }
0x6f: {  	_ =	shalt  }
0x70: {  	_ =	shalt  }
0x71: {  	_ =	shalt  }
0x72: {  	_ =	shalt  }
0x73: {  	_ =	shalt  }
0x74: {  	_ =	shalt  }
0x75: {  	_ =	shalt  }
0x76: {  	_ =	shalt  }
0x77: {  	_ =	shalt  }
0x78: {  	_ =	shalt  }
0x79: {  	_ =	shalt  }
0x7a: {  	_ =	shalt  }
0x7b: {  	_ =	shalt  }
0x7c: {  	_ =	shalt  }
0x7d: {  	_ =	shalt  }
0x7e: {  	_ =	shalt  }
0x7f: {  	_ =	shalt  }
0x80: {  	_ =	shalt  }
0x81: {  	_ =	shalt  }
0x82: {  	_ =	shalt  }
0x83: {  	_ =	shalt  }
0x84: {  	_ =	shalt  }
0x85: {  	_ =	shalt  }
0x86: {  	_ =	shalt  }
0x87: {  	_ =	shalt  }
.Lfunc_end0:
.L_simem_size_0:
called_computation_lowered:
.L_overlay_start_0:
0x88: {  	s2 =	sld [smem:$0x3FD9]  }
0x89: {  	s3 =	sld [smem:$0x3FFE];
	_ =	sdelay $0x1  }
0x8a: {  	s1 =	srdreg.scid  }
0x8b: {  	s0 =	sand.u32 $0x1, s1  }
0x8c: {  	s18 =	sshll.u32 s0, $0xA;
	s2 =	sadd.s32 s3, s2  }
0x8d: {  	s2 =	sadd.s32 s2, s18  }
0x8e: {  	[smem:$0x3FC5] =	sst s2  }
0x8f: {  	_ = 	snop  }
0x90: {  	s2 =	sld [smem:$0x3FC9]  }
0x91: {  	s19 =	sld [smem:$0x3FC8]  }
0x92: {  	s4 =	sld [smem:$0x3FC7]  }
0x93: {  	s5 =	sld [smem:$0x3FD0];
	(tm) =	ssettm $0x1  }
0x94: {  	s6 =	sld [smem:$0x3FFB];
	_ =	sdelay $0x3  }
0x95: {  	_ =	strace s6  }
0x96: {  	s6 =	sld [smem:$0x3FFC];
	_ =	sdelay $0x3  }
0x97: {  	_ =	strace s6  }
0x98: {  	s6 =	sld [smem:$0x3FFD];
	_ =	sdelay $0x3  }
0x99: {  	_ =	strace s6  }
0x9a: {  	_ =	strace $0x8FFFFFFF  }
0x9b: {  	s20 =	sld [smem:$0x3FDB];
	_ =	sdelay $0x1  }
0x9c: {  	s7 =	simm.s32 $_scs_section_size  }
0x9d: {  	s8 =	simm.s32 $_size__tile_overlayer_lowered;
	s9 =	simm.s32 $_tile_overlayer_lowered  }
0x9e: {  	s23 =	simm.s32 $0x1BFF;
	s22 =	sshll.u32 s9, $0x1;
	s6 =	sadd.s32 s7, s20  }
0x9f: {  	s10 =	simm.s32 $0x0;
	s21 =	sshll.u32 s8, $0x1;
	s8 =	sadd.s32 s22, s6  }
0xa0: {  	[timem:s10], [sflag:s23] =	dma.local [hbm:s8], s21  }
0xa1: {  	_ =	swait.ge [sflag:s23], s21  }
0xa2: {  	s7 =	ssub.s32 $0x0, s21;
	[sflag:s23] =	ssyncset.done $0x0  }
0xa3: {  	[sflag:s23] =	ssyncadd.s32 s7;
	_ =	sdelay $0x1  }
0xa4: {  	s24 =	simm.s32 $0x1B8B  }
0xa5: {  	_ =	swait.ge [sflag:s24], $0x1  }
0xa6: {  	[sflag:s24] =	ssyncset.done $0x0  }
0xa7: {  	s25 =	simm.s32 $0x1B8E;
	[sflag:s24] =	ssyncadd.s32 $0xFFFFFFFF  }
0xa8: {  	s26 =	simm.s32 $execute0_lowered;
	[smem:$0x3FD2] =	sst s25  }
0xa9: {  	s7 =	sshll.u32 s26, $0x1;
	_ =	strace $0x80000046;
	[dreg:$0x1] =	wrdreg $0xFFFFFFFF  }
0xaa: {  	s28 =	simm.s32 $_size_execute0_lowered;
	s6 =	sadd.s32 s6, s7;
	[dreg:$0x0] =	wrdreg $0x0  }
0xab: {  	s7 =	sshll.u32 s28, $0x1;
	[dreg:$0x2] =	wrdreg s6  }
0xac: {  	[dreg:$0x3] =	wrdreg s7  }
0xad: {  	[dreg:$0x4] =	wrdreg $0xC0  }
0xae: {  	_ =	task [dreg:s10], $0x5FFFF  }
0xaf: {  	[dreg:$0x1] =	wrdreg $0xFFFFFFFF  }
0xb0: {  	[dreg:$0x0] =	wrdreg $0x60  }
0xb1: {  	[dreg:$0x2] =	wrdreg s2  }
0xb2: {  	[dreg:$0x3] =	wrdreg s19  }
0xb3: {  	[dreg:$0x4] =	wrdreg s4  }
0xb4: {  	[dreg:$0x5] =	wrdreg s5  }
0xb5: {  	[dreg:$0x6] =	wrdreg $0x9  }
0xb6: {  	_ =	task.clear_ibuf [dreg:s10], $0x7FFFF;
	_ =	strace $0x90000046  }
0xb7: {  	s29 =	simm.s32 $0x9;
	_ =	strace $0x80000048  }
0xb8: {  	_ =	swait.ge [sflag:s29], $0x1  }
0xb9: {  	[sflag:s29] =	ssyncadd.s32 $0xFFFFFFFF  }
0xba: {  	_ =	strace $0x90000048  }
0xbb: {  	_ =	sfence  }
0xbc: {  	s30 =	sld [smem:$0x0];
	_ =	sdelay $0x2  }
0xbd: {  	s31 =	sshll.u32 s1, $0xD;
	s1 =	sshrl.u32 s1, $0x2  }
0xbe: {  	s3 =	sand.u32 $0x4000, s31;
	s1 =	sadd.s32 s1, s30  }
0xbf: {  	s0 =	sor.u32 s3, s0;
	s1 =	sshll.u32 s1, $0x11  }
0xc0: {  	s0 =	sor.u32 s1, s0  }
0xc1: {  	s0 =	sadd.s32 $0x8F2B, s0  }
0xc2: {  	[sflag:s0] =	ssyncadd.remote.s32 $0x1  }
0xc3: {  	_ =	sfence.sel $0xFFFF  }
0xc4: {  	[dreg:$0x0] =	wrdreg $0xFFFFFFFF;
	(pc) =	sbr.abs _section_cstart, $3  }
0xc5: {  	[dreg:$0x1] =	wrdreg $0xFFFFFFFF  }
0xc6: {  	_ =	task.clear_ibuf [dreg:s10], $0x2FFFF;
	_ =	strace $0x9FFFFFFF  }
0xc7: {  	(tm) =	ssettm $0x7FFFFFFF  }
tec
execute0_lowered:
.L_overlay_start_1:
0x0: {  	(tag) =	ssettag $0x1  }
0x1: {  	s0 =	rddreg [dreg:$0x0]  }
0x2: {  	s1 =	rddreg [dreg:$0x1]  }
0x3: {  	s2 =	srdreg.scid;
	s8 =	rddreg [dreg:$0x2]  }
0x4: {  	s3 =	stileid.u32;
	s9 =	rddreg [dreg:$0x3]  }
0x5: {  	s14 =	simm.s32 $0x80;
	s15 =	simm.s32 $0x100;
	s16 =	simm.s32 $0x180  }
0x6: {  	s18 =	simm.s32 $0x1;
	s19 =	simm.s32 $0x40;
	s20 =	simm.s32 $0x2200  }
0x7: {  	s21 =	simm.s32 $0x4200;
	s22 =	simm.s32 $0x6200;
	s23 =	simm.s32 $0x8200  }
0x8: {  	s28 =	simm.s32 $0x5;
	s29 =	simm.s32 $0x6;
	s2 =	sand.u32 $0x1, s2  }
0x9: {  	s30 =	simm.s32 $0x7;
	s3 =	sshll.u32 s3, $0x7;
	s4 =	sshll.u32 s2, $0x6  }
0xa: {  	s31 =	simm.s32 $0x0;
	s2 =	ssub.s32 $0x2, s2;
	s7 =	sor.u32 s4, s3  }
0xb: {  	s3 =	simm.s32 $0x0;
	s10 =	sshrl.u32 s2, $0x1;
	s5 =	sshll.u32 s7, $0x2  }
0xc: {  	[smem:$0x7FF] =	sst s3;
	s2 =	ssub.s32 s2, s10;
	s26 =	sshll.u32 s7, $0x4  }
0xd: {  	s6 =	sand.u32 $0x1E00, s5;
	_ =	strace $0x80000047;
	s5 =	sor.u32 s4, s5  }
0xe: {  	s8 =	sadd.s32 s8, s26;
	s9 =	sadd.s32 s9, s26;
	s13 =	smax.u32 s2, $0x1  }
0xf: {  	s26 =	simm.s32 $0x4;
	s6 =	sor.u32 s4, s6;
	s11 =	sshrl.u32 s5, $0x3  }
0x10: {  	s10 =	sadd.s32 $0x8000, s9;
	s12 =	sadd.s32 $0x18000, s9;
	s6 =	sshrl.u32 s6, $0x3  }
0x11: {  	s24 =	sor.u32 $0x20, s11;
	s25 =	sor.u32 $0x30, s11;
	s11 =	sadd.s32 $0x10000, s9  }
0x12: {  	s4 =	sadd.s32 s0, s6;
	s6 =	sadd.s32 s0, s24;
	s7 =	sadd.s32 s0, s25  }
0x13: {  	s24 =	simm.s32 $0x2;
	s25 =	simm.s32 $0x3;
	s5 =	sadd.s32 $0x10, s4  }
.LBB2_1:
0x14: {  	[tilespmem:s3], [sflag:$0x1] =	stream.linear.gather [hbm4b:s4+s3], $0x40, $0x38;
	[tilespmem:$0xA200] =	vst v63  }
0x15: {  	_ = 	snop  }
0x16: {  	[tilespmem:s14], [sflag:$0x1] =	stream.linear.gather [hbm4b:s5+s3], $0x40, $0x38;
	[tilespmem:$0xA200] =	vst v63  }
0x17: {  	_ = 	snop  }
0x18: {  	[tilespmem:s15], [sflag:$0x1] =	stream.linear.gather [hbm4b:s6+s3], $0x40, $0x38;
	[tilespmem:$0xA200] =	vst v63  }
0x19: {  	_ = 	snop  }
0x1a: {  	[tilespmem:s16], [sflag:$0x1] =	stream.linear.gather [hbm4b:s7+s3], $0x40, $0x38;
	[tilespmem:$0xA200] =	vst v63  }
0x1b: {  	s0 =	simm.s32 $0x200  }
0x1c: {  	[tilespmem:s0], [sflag:$0x2] =	stream.linear.gather [hbm4b:s8+s3], $0x2000, $0x38;
	[tilespmem:$0xA200] =	vst v63  }
0x1d: {  	_ =	swait.ge [sflag:s18], $0x40  }
0x1e: {  	[sflag:s18] =	ssyncset.done $0x0  }
0x1f: {  	[sflag:s18] =	ssyncadd.s32 $0xFFFFFFC0  }
0x20: {  	_ =	swait.ge [sflag:s18], $0x40  }
0x21: {  	[sflag:s18] =	ssyncset.done $0x0  }
0x22: {  	[sflag:s18] =	ssyncadd.s32 $0xFFFFFFC0  }
0x23: {  	_ =	swait.ge [sflag:s18], $0x40  }
0x24: {  	[sflag:s18] =	ssyncset.done $0x0  }
0x25: {  	[sflag:s18] =	ssyncadd.s32 $0xFFFFFFC0  }
0x26: {  	_ =	swait.ge [sflag:s18], $0x40  }
0x27: {  	[sflag:s18] =	ssyncset.done $0x0  }
0x28: {  	[sflag:s18] =	ssyncadd.s32 $0xFFFFFFC0  }
0x29: {  	[tilespmem:s20], [sflag:$0x3] =	stream.indirect.gather [hbm4b:s1+s19], $0x80, s3, s19, $0xb8;
	[tilespmem:$0xA200] =	vst v63  }
0x2a: {  	_ = 	snop  }
0x2b: {  	[tilespmem:s21], [sflag:$0x4] =	stream.indirect.gather [hbm4b:s1+s19], $0x80, s14, s19, $0xb8;
	[tilespmem:$0xA200] =	vst v63  }
0x2c: {  	_ = 	snop  }
0x2d: {  	[tilespmem:s22], [sflag:$0x5] =	stream.indirect.gather [hbm4b:s1+s19], $0x80, s15, s19, $0xb8;
	[tilespmem:$0xA200] =	vst v63  }
0x2e: {  	_ = 	snop  }
0x2f: {  	[tilespmem:s23], [sflag:$0x6] =	stream.indirect.gather [hbm4b:s1+s19], $0x80, s16, s19, $0xb8;
	[tilespmem:$0xA200] =	vst v63  }
0x30: {  	_ =	swait.ge [sflag:s24], $0x2000  }
0x31: {  	[sflag:s24] =	ssyncset.done $0x0  }
0x32: {  	[sflag:s24] =	ssyncadd.s32 $0xFFFFE000  }
0x33: {  	_ =	swait.ge [sflag:s25], $0x2000  }
0x34: {  	[sflag:s25] =	ssyncset.done $0x0  }
0x35: {  	s2 =	simm.s32 $0x0;
	[sflag:s25] =	ssyncadd.s32 $0xFFFFE000  }
0x36: {  	v7 =	vld [tilespmem:s2+$0x200]  }
0x37: {  	v11 =	vld [tilespmem:s2+$0x210]  }
0x38: {  	v5 =	vld [tilespmem:s2+$0x220]  }
0x39: {  	v4 =	vld [tilespmem:s2+$0x230]  }
0x3a: {  	v3 =	vld [tilespmem:s2+$0x240]  }
0x3b: {  	v2 =	vld [tilespmem:s2+$0x250]  }
0x3c: {  	v1 =	vld [tilespmem:s2+$0x260]  }
0x3d: {  	v0 =	vld [tilespmem:s2+$0x270]  }
0x3e: {  	v12 =	vld [tilespmem:s2+$0x2200]  }
0x3f: {  	v13 =	vld [tilespmem:s2+$0x2210]  }
0x40: {  	v10 =	vld [tilespmem:s2+$0x2220]  }
0x41: {  	v9 =	vld [tilespmem:s2+$0x2230]  }
0x42: {  	v8 =	vld [tilespmem:s2+$0x2240]  }
0x43: {  	v6 =	vld [tilespmem:s2+$0x2250];
	v12 =	vadd.f32 v7, v12  }
0x44: {  	s0 =	simm.s32 $0x200;
	v11 =	vadd.f32 v11, v13;
	v7 =	vld [tilespmem:s2+$0x2260]  }
.LBB2_2:
0x45: {  	s17 =	sshra.s32 s0, $0x2;
	p0 =	sne.s32 s0, $0x7E00;
	[tilespmem:s2+$0x2200] =	vst v12;
	v5 =	vadd.f32 v5, v10;
	v10 =	vld [tilespmem:s2+$0x2270]  }
0x46: {  	v12 =	vld [tilespmem:s17+$0x200];
	[tilespmem:s2+$0x2210] =	vst v11;
	v4 =	vadd.f32 v4, v9  }
0x47: {  	v11 =	vld [tilespmem:s17+$0x210];
	[tilespmem:s2+$0x2220] =	vst v5;
	v3 =	vadd.f32 v3, v8  }
0x48: {  	v5 =	vld [tilespmem:s17+$0x220];
	[tilespmem:s2+$0x2230] =	vst v4;
	v2 =	vadd.f32 v2, v6  }
0x49: {  	v4 =	vld [tilespmem:s17+$0x230];
	[tilespmem:s2+$0x2240] =	vst v3;
	v1 =	vadd.f32 v1, v7  }
0x4a: {  	v3 =	vld [tilespmem:s17+$0x240];
	[tilespmem:s2+$0x2250] =	vst v2;
	v0 =	vadd.f32 v0, v10  }
0x4b: {  	v2 =	vld [tilespmem:s17+$0x250];
	[tilespmem:s2+$0x2260] =	vst v1  }
0x4c: {  	v1 =	vld [tilespmem:s17+$0x260];
	[tilespmem:s2+$0x2270] =	vst v0;
	s2 =	smov.u32 s17  }
0x4d: {  	v0 =	vld [tilespmem:s2+$0x270]  }
0x4e: {  	v6 =	vld [tilespmem:s2+$0x2200]  }
0x4f: {  	v7 =	vld [tilespmem:s2+$0x2210]  }
.Ltmp0:
0x50: {  	v10 =	vld [tilespmem:s2+$0x2220];
	(pc) =	sbr.rel @p0 .LBB2_2-.Ltmp0, $4  }
0x51: {  	v9 =	vld [tilespmem:s2+$0x2230]  }
0x52: {  	v8 =	vld [tilespmem:s2+$0x2240]  }
0x53: {  	v12 =	vadd.f32 v12, v6;
	v6 =	vld [tilespmem:s2+$0x2250]  }
0x54: {  	s0 =	sadd.s32 $0x200, s0;
	v11 =	vadd.f32 v11, v7;
	v7 =	vld [tilespmem:s2+$0x2260]  }
0x55: {  	[tilespmem:s2+$0x2200] =	vst v12;
	v5 =	vadd.f32 v5, v10;
	v10 =	vld [tilespmem:s2+$0x2270]  }
0x56: {  	[tilespmem:s2+$0x2210] =	vst v11;
	v4 =	vadd.f32 v4, v9  }
0x57: {  	[tilespmem:s2+$0x2220] =	vst v5;
	v3 =	vadd.f32 v3, v8  }
0x58: {  	[tilespmem:s2+$0x2230] =	vst v4;
	v2 =	vadd.f32 v2, v6  }
0x59: {  	[tilespmem:s2+$0x2240] =	vst v3;
	v1 =	vadd.f32 v1, v7  }
0x5a: {  	[tilespmem:s2+$0x2250] =	vst v2;
	v0 =	vadd.f32 v0, v10  }
0x5b: {  	[tilespmem:s2+$0x2260] =	vst v1  }
0x5c: {  	s0 =	simm.s32 $0x0;
	[tilespmem:s2+$0x2270] =	vst v0  }
0x5d: {  	[hbm4b:s9+s0] =	stream.linear.scatter [tilespmem:s20], [sflag:$0x7], $0x2000, $0x38;
	[tilespmem:$0xA200] =	vst v63  }
0x5e: {  	_ =	swait.ge [sflag:s26], $0x2000  }
0x5f: {  	[sflag:s26] =	ssyncset.done $0x0  }
0x60: {  	s2 =	simm.s32 $0x0;
	[sflag:s26] =	ssyncadd.s32 $0xFFFFE000  }
0x61: {  	v7 =	vld [tilespmem:s2+$0x200]  }
0x62: {  	v11 =	vld [tilespmem:s2+$0x210]  }
0x63: {  	v5 =	vld [tilespmem:s2+$0x220]  }
0x64: {  	v4 =	vld [tilespmem:s2+$0x230]  }
0x65: {  	v3 =	vld [tilespmem:s2+$0x240]  }
0x66: {  	v2 =	vld [tilespmem:s2+$0x250]  }
0x67: {  	v1 =	vld [tilespmem:s2+$0x260]  }
0x68: {  	v0 =	vld [tilespmem:s2+$0x270]  }
0x69: {  	v12 =	vld [tilespmem:s2+$0x4200]  }
0x6a: {  	v13 =	vld [tilespmem:s2+$0x4210]  }
0x6b: {  	v10 =	vld [tilespmem:s2+$0x4220]  }
0x6c: {  	v9 =	vld [tilespmem:s2+$0x4230]  }
0x6d: {  	v8 =	vld [tilespmem:s2+$0x4240]  }
0x6e: {  	v6 =	vld [tilespmem:s2+$0x4250];
	v12 =	vadd.f32 v7, v12  }
0x6f: {  	s0 =	simm.s32 $0x200;
	v11 =	vadd.f32 v11, v13;
	v7 =	vld [tilespmem:s2+$0x4260]  }
.LBB2_4:
0x70: {  	s17 =	sshra.s32 s0, $0x2;
	p0 =	sne.s32 s0, $0x7E00;
	[tilespmem:s2+$0x4200] =	vst v12;
	v5 =	vadd.f32 v5, v10;
	v10 =	vld [tilespmem:s2+$0x4270]  }
0x71: {  	v12 =	vld [tilespmem:s17+$0x200];
	[tilespmem:s2+$0x4210] =	vst v11;
	v4 =	vadd.f32 v4, v9  }
0x72: {  	v11 =	vld [tilespmem:s17+$0x210];
	[tilespmem:s2+$0x4220] =	vst v5;
	v3 =	vadd.f32 v3, v8  }
0x73: {  	v5 =	vld [tilespmem:s17+$0x220];
	[tilespmem:s2+$0x4230] =	vst v4;
	v2 =	vadd.f32 v2, v6  }
0x74: {  	v4 =	vld [tilespmem:s17+$0x230];
	[tilespmem:s2+$0x4240] =	vst v3;
	v1 =	vadd.f32 v1, v7  }
0x75: {  	v3 =	vld [tilespmem:s17+$0x240];
	[tilespmem:s2+$0x4250] =	vst v2;
	v0 =	vadd.f32 v0, v10  }
0x76: {  	v2 =	vld [tilespmem:s17+$0x250];
	[tilespmem:s2+$0x4260] =	vst v1  }
0x77: {  	v1 =	vld [tilespmem:s17+$0x260];
	[tilespmem:s2+$0x4270] =	vst v0;
	s2 =	smov.u32 s17  }
0x78: {  	v0 =	vld [tilespmem:s2+$0x270]  }
0x79: {  	v6 =	vld [tilespmem:s2+$0x4200]  }
0x7a: {  	v7 =	vld [tilespmem:s2+$0x4210]  }
.Ltmp1:
0x7b: {  	v10 =	vld [tilespmem:s2+$0x4220];
	(pc) =	sbr.rel @p0 .LBB2_4-.Ltmp1, $4  }
0x7c: {  	v9 =	vld [tilespmem:s2+$0x4230]  }
0x7d: {  	v8 =	vld [tilespmem:s2+$0x4240]  }
0x7e: {  	v12 =	vadd.f32 v12, v6;
	v6 =	vld [tilespmem:s2+$0x4250]  }
0x7f: {  	s0 =	sadd.s32 $0x200, s0;
	v11 =	vadd.f32 v11, v7;
	v7 =	vld [tilespmem:s2+$0x4260]  }
0x80: {  	[tilespmem:s2+$0x4200] =	vst v12;
	v5 =	vadd.f32 v5, v10;
	v10 =	vld [tilespmem:s2+$0x4270]  }
0x81: {  	[tilespmem:s2+$0x4210] =	vst v11;
	v4 =	vadd.f32 v4, v9  }
0x82: {  	[tilespmem:s2+$0x4220] =	vst v5;
	v3 =	vadd.f32 v3, v8  }
0x83: {  	[tilespmem:s2+$0x4230] =	vst v4;
	v2 =	vadd.f32 v2, v6  }
0x84: {  	[tilespmem:s2+$0x4240] =	vst v3;
	v1 =	vadd.f32 v1, v7  }
0x85: {  	[tilespmem:s2+$0x4250] =	vst v2;
	v0 =	vadd.f32 v0, v10  }
0x86: {  	[tilespmem:s2+$0x4260] =	vst v1  }
0x87: {  	s0 =	simm.s32 $0x0;
	[tilespmem:s2+$0x4270] =	vst v0  }
0x88: {  	[hbm4b:s10+s0] =	stream.linear.scatter [tilespmem:s21], [sflag:$0x7], $0x2000, $0x38;
	[tilespmem:$0xA200] =	vst v63  }
0x89: {  	_ =	swait.ge [sflag:s28], $0x2000  }
0x8a: {  	[sflag:s28] =	ssyncset.done $0x0  }
0x8b: {  	s2 =	simm.s32 $0x0;
	[sflag:s28] =	ssyncadd.s32 $0xFFFFE000  }
0x8c: {  	v7 =	vld [tilespmem:s2+$0x200]  }
0x8d: {  	v11 =	vld [tilespmem:s2+$0x210]  }
0x8e: {  	v5 =	vld [tilespmem:s2+$0x220]  }
0x8f: {  	v4 =	vld [tilespmem:s2+$0x230]  }
0x90: {  	v3 =	vld [tilespmem:s2+$0x240]  }
0x91: {  	v2 =	vld [tilespmem:s2+$0x250]  }
0x92: {  	v1 =	vld [tilespmem:s2+$0x260]  }
0x93: {  	v0 =	vld [tilespmem:s2+$0x270]  }
0x94: {  	v12 =	vld [tilespmem:s2+$0x6200]  }
0x95: {  	v13 =	vld [tilespmem:s2+$0x6210]  }
0x96: {  	v10 =	vld [tilespmem:s2+$0x6220]  }
0x97: {  	v9 =	vld [tilespmem:s2+$0x6230]  }
0x98: {  	v8 =	vld [tilespmem:s2+$0x6240]  }
0x99: {  	v6 =	vld [tilespmem:s2+$0x6250];
	v12 =	vadd.f32 v7, v12  }
0x9a: {  	s0 =	simm.s32 $0x200;
	v11 =	vadd.f32 v11, v13;
	v7 =	vld [tilespmem:s2+$0x6260]  }
.LBB2_6:
0x9b: {  	s17 =	sshra.s32 s0, $0x2;
	p0 =	sne.s32 s0, $0x7E00;
	[tilespmem:s2+$0x6200] =	vst v12;
	v5 =	vadd.f32 v5, v10;
	v10 =	vld [tilespmem:s2+$0x6270]  }
0x9c: {  	v12 =	vld [tilespmem:s17+$0x200];
	[tilespmem:s2+$0x6210] =	vst v11;
	v4 =	vadd.f32 v4, v9  }
0x9d: {  	v11 =	vld [tilespmem:s17+$0x210];
	[tilespmem:s2+$0x6220] =	vst v5;
	v3 =	vadd.f32 v3, v8  }
0x9e: {  	v5 =	vld [tilespmem:s17+$0x220];
	[tilespmem:s2+$0x6230] =	vst v4;
	v2 =	vadd.f32 v2, v6  }
0x9f: {  	v4 =	vld [tilespmem:s17+$0x230];
	[tilespmem:s2+$0x6240] =	vst v3;
	v1 =	vadd.f32 v1, v7  }
0xa0: {  	v3 =	vld [tilespmem:s17+$0x240];
	[tilespmem:s2+$0x6250] =	vst v2;
	v0 =	vadd.f32 v0, v10  }
0xa1: {  	v2 =	vld [tilespmem:s17+$0x250];
	[tilespmem:s2+$0x6260] =	vst v1  }
0xa2: {  	v1 =	vld [tilespmem:s17+$0x260];
	[tilespmem:s2+$0x6270] =	vst v0;
	s2 =	smov.u32 s17  }
0xa3: {  	v0 =	vld [tilespmem:s2+$0x270]  }
0xa4: {  	v6 =	vld [tilespmem:s2+$0x6200]  }
0xa5: {  	v7 =	vld [tilespmem:s2+$0x6210]  }
.Ltmp2:
0xa6: {  	v10 =	vld [tilespmem:s2+$0x6220];
	(pc) =	sbr.rel @p0 .LBB2_6-.Ltmp2, $4  }
0xa7: {  	v9 =	vld [tilespmem:s2+$0x6230]  }
0xa8: {  	v8 =	vld [tilespmem:s2+$0x6240]  }
0xa9: {  	v12 =	vadd.f32 v12, v6;
	v6 =	vld [tilespmem:s2+$0x6250]  }
0xaa: {  	s0 =	sadd.s32 $0x200, s0;
	v11 =	vadd.f32 v11, v7;
	v7 =	vld [tilespmem:s2+$0x6260]  }
0xab: {  	[tilespmem:s2+$0x6200] =	vst v12;
	v5 =	vadd.f32 v5, v10;
	v10 =	vld [tilespmem:s2+$0x6270]  }
0xac: {  	[tilespmem:s2+$0x6210] =	vst v11;
	v4 =	vadd.f32 v4, v9  }
0xad: {  	[tilespmem:s2+$0x6220] =	vst v5;
	v3 =	vadd.f32 v3, v8  }
0xae: {  	[tilespmem:s2+$0x6230] =	vst v4;
	v2 =	vadd.f32 v2, v6  }
0xaf: {  	[tilespmem:s2+$0x6240] =	vst v3;
	v1 =	vadd.f32 v1, v7  }
0xb0: {  	[tilespmem:s2+$0x6250] =	vst v2;
	v0 =	vadd.f32 v0, v10  }
0xb1: {  	[tilespmem:s2+$0x6260] =	vst v1  }
0xb2: {  	s0 =	simm.s32 $0x0;
	[tilespmem:s2+$0x6270] =	vst v0  }
0xb3: {  	[hbm4b:s11+s0] =	stream.linear.scatter [tilespmem:s22], [sflag:$0x7], $0x2000, $0x38;
	[tilespmem:$0xA200] =	vst v63  }
0xb4: {  	_ =	swait.ge [sflag:s29], $0x2000  }
0xb5: {  	[sflag:s29] =	ssyncset.done $0x0  }
0xb6: {  	s2 =	simm.s32 $0x0;
	[sflag:s29] =	ssyncadd.s32 $0xFFFFE000  }
0xb7: {  	v7 =	vld [tilespmem:s2+$0x200]  }
0xb8: {  	v11 =	vld [tilespmem:s2+$0x210]  }
0xb9: {  	v5 =	vld [tilespmem:s2+$0x220]  }
0xba: {  	v4 =	vld [tilespmem:s2+$0x230]  }
0xbb: {  	v3 =	vld [tilespmem:s2+$0x240]  }
0xbc: {  	v2 =	vld [tilespmem:s2+$0x250]  }
0xbd: {  	v1 =	vld [tilespmem:s2+$0x260]  }
0xbe: {  	v0 =	vld [tilespmem:s2+$0x270]  }
0xbf: {  	v12 =	vld [tilespmem:s2+$0x8200]  }
0xc0: {  	v13 =	vld [tilespmem:s2+$0x8210]  }
0xc1: {  	v10 =	vld [tilespmem:s2+$0x8220]  }
0xc2: {  	v9 =	vld [tilespmem:s2+$0x8230]  }
0xc3: {  	v8 =	vld [tilespmem:s2+$0x8240]  }
0xc4: {  	v6 =	vld [tilespmem:s2+$0x8250];
	v12 =	vadd.f32 v7, v12  }
0xc5: {  	s0 =	simm.s32 $0x200;
	v11 =	vadd.f32 v11, v13;
	v7 =	vld [tilespmem:s2+$0x8260]  }
.LBB2_8:
0xc6: {  	s17 =	sshra.s32 s0, $0x2;
	p0 =	sne.s32 s0, $0x7E00;
	[tilespmem:s2+$0x8200] =	vst v12;
	v5 =	vadd.f32 v5, v10;
	v10 =	vld [tilespmem:s2+$0x8270]  }
0xc7: {  	v12 =	vld [tilespmem:s17+$0x200];
	[tilespmem:s2+$0x8210] =	vst v11;
	v4 =	vadd.f32 v4, v9  }
0xc8: {  	v11 =	vld [tilespmem:s17+$0x210];
	[tilespmem:s2+$0x8220] =	vst v5;
	v3 =	vadd.f32 v3, v8  }
0xc9: {  	v5 =	vld [tilespmem:s17+$0x220];
	[tilespmem:s2+$0x8230] =	vst v4;
	v2 =	vadd.f32 v2, v6  }
0xca: {  	v4 =	vld [tilespmem:s17+$0x230];
	[tilespmem:s2+$0x8240] =	vst v3;
	v1 =	vadd.f32 v1, v7  }
0xcb: {  	v3 =	vld [tilespmem:s17+$0x240];
	[tilespmem:s2+$0x8250] =	vst v2;
	v0 =	vadd.f32 v0, v10  }
0xcc: {  	v2 =	vld [tilespmem:s17+$0x250];
	[tilespmem:s2+$0x8260] =	vst v1  }
0xcd: {  	v1 =	vld [tilespmem:s17+$0x260];
	[tilespmem:s2+$0x8270] =	vst v0;
	s2 =	smov.u32 s17  }
0xce: {  	v0 =	vld [tilespmem:s2+$0x270]  }
0xcf: {  	v6 =	vld [tilespmem:s2+$0x8200]  }
0xd0: {  	v7 =	vld [tilespmem:s2+$0x8210]  }
.Ltmp3:
0xd1: {  	v10 =	vld [tilespmem:s2+$0x8220];
	(pc) =	sbr.rel @p0 .LBB2_8-.Ltmp3, $4  }
0xd2: {  	v9 =	vld [tilespmem:s2+$0x8230]  }
0xd3: {  	v8 =	vld [tilespmem:s2+$0x8240]  }
0xd4: {  	v12 =	vadd.f32 v12, v6;
	v6 =	vld [tilespmem:s2+$0x8250]  }
0xd5: {  	s0 =	sadd.s32 $0x200, s0;
	v11 =	vadd.f32 v11, v7;
	v7 =	vld [tilespmem:s2+$0x8260]  }
0xd6: {  	[tilespmem:s2+$0x8200] =	vst v12;
	v5 =	vadd.f32 v5, v10;
	v63 =	vld [tilespmem:s2+$0x8270]  }
0xd7: {  	[tilespmem:s2+$0x8210] =	vst v11;
	v4 =	vadd.f32 v4, v9  }
0xd8: {  	[tilespmem:s2+$0x8220] =	vst v5;
	v3 =	vadd.f32 v3, v8  }
0xd9: {  	[tilespmem:s2+$0x8230] =	vst v4;
	v2 =	vadd.f32 v2, v6  }
0xda: {  	[tilespmem:s2+$0x8240] =	vst v3;
	v1 =	vadd.f32 v1, v7  }
0xdb: {  	[tilespmem:s2+$0x8250] =	vst v2;
	v0 =	vadd.f32 v0, v63  }
0xdc: {  	[tilespmem:s2+$0x8260] =	vst v1  }
0xdd: {  	[tilespmem:s2+$0x8270] =	vst v0  }
0xde: {  	[hbm4b:s12+s3] =	stream.linear.scatter [tilespmem:s23], [sflag:$0x7], $0x2000, $0x38;
	[tilespmem:$0xA200] =	vst v63  }
0xdf: {  	_ =	swait.ge [sflag:s30], $0x2000  }
0xe0: {  	[sflag:s30] =	ssyncset.done $0x0  }
0xe1: {  	[sflag:s30] =	ssyncadd.s32 $0xFFFFE000  }
0xe2: {  	_ =	swait.ge [sflag:s30], $0x2000  }
0xe3: {  	[sflag:s30] =	ssyncset.done $0x0  }
0xe4: {  	s31 =	sadd.s32 $0x1, s31;
	[sflag:s30] =	ssyncadd.s32 $0xFFFFE000  }
0xe5: {  	p0 =	sne.s32 s31, s13;
	_ =	swait.ge [sflag:s30], $0x2000  }
.Ltmp4:
0xe6: {  	[sflag:s30] =	ssyncset.done $0x0;
	(pc) =	sbr.rel @p0 .LBB2_1-.Ltmp4, $4  }
0xe7: {  	[sflag:s30] =	ssyncadd.s32 $0xFFFFE000  }
0xe8: {  	_ =	swait.ge [sflag:s30], $0x2000  }
0xe9: {  	[sflag:s30] =	ssyncset.done $0x0  }
0xea: {  	[sflag:s30] =	ssyncadd.s32 $0xFFFFE000  }
0xeb: {  	_ =	sfence.sel $0x180000  }
0xec: {  	[bflag:$0x0] =	sbarrier.arrive $0xFFFF  }
0xed: {  	_ =	strace $0x90000047  }
0xee: {  	s0 =	stileid.u32;
	[bflag:$0x2] =	sbarrier.arrive $0xFFFF  }
0xef: {  	p0 =	sne.s32 s0, $0x0;
	s0 =	rddreg [dreg:$0x4]  }
0xf0: {  	s0 =	sadd.s32 @!p0 $0x100000, s0  }
0xf1: {  	[sflag:s0] =	ssyncadd.tile.s32 @!p0 $0x1;
	_ =	shalt  }
.Lfunc_end2:
_tile_overlayer_lowered:
.L_overlay_start_2:
0xf2: {  	(tag) =	ssettag $0x2  }
0xf3: {  	s0 =	rddreg [dreg:$0x0];
	s2 =	stileid.u32  }
0xf4: {  	s1 =	rddreg [dreg:$0x1];
	p0 =	sne.s32 s2, $0x0  }
0xf5: {  	s3 =	rddreg [dreg:$0x2];
	[bflag:$0x3] =	sbarrier.arrive $0xFFFF;
	s2 =	simm.s32 @!p0 $0x1C08  }
0xf6: {  	[timem:s3], [sflag:s2] =	dma.local @!p0 [hbm:s0], s1  }
0xf7: {  	s0 =	simm.s32 @!p0 $0x8  }
0xf8: {  	_ =	swait.ge @!p0 [sflag:s0], s1  }
0xf9: {  	s1 =	ssub.s32 @!p0 $0x0, s1;
	[sflag:s0] =	ssyncset.done @!p0 $0x0  }
0xfa: {  	[sflag:s0] =	ssyncadd.s32 @!p0 s1  }
0xfb: {  	[bflag:$0x3] =	sbarrier.arrive $0xFFFF  }
0xfc: {  	_ =	shalt  }

</sc_bundles>
